<compile_context>
chip_gen: v7x
topology: tpu7x:2x2x1
jax: 0.10.2.dev20260603
libtpu: 0.0.44.dev20260713+nightly
codegen_flags: <defaults>
</compile_context>

<pallas_src>
import jax
import jax.numpy as jnp
from jax import lax
from jax.experimental import pallas as pl
from jax.experimental.pallas import tpu as pltpu
from jax.experimental.pallas import tpu_sc as plsc

_VOCAB = 1000000
_EMBED_DIM = 16
_BATCH = 16384
_HIST = 200

_IDXW = 512
_K = 1
_CHUNK = _K * _IDXW
_BTW = _CHUNK // 128

_NC = 2
_NS = 16
_NW = _NC * _NS

_ET = _EMBED_DIM // 8
_BT = _BATCH // 128
_HROW = _ET * _BT * 8 * 128
_TILE_RUN = 8 * 128

assert _BATCH == _NW * _CHUNK


def _body(
    w_hbm, xt_hbm, out_hbm, idx_v, gath_v, tr_v,
    sem_i, sem_g0, sem_g1, sem_o0, sem_o1,
):
    wid = lax.axis_index("s") * _NC + lax.axis_index("c")
    b0 = pl.multiple_of(wid * _CHUNK, 8)
    bt0 = wid * _BTW
    lanes = lax.iota(jnp.int32, 16)
    cols = [jnp.full((16,), e, jnp.int32) for e in range(_EMBED_DIM)]

    def idx_src(h):
        return xt_hbm.at[h, pl.ds(b0, _CHUNK)]

    sem_g = (sem_g0, sem_g1)
    sem_o = (sem_o0, sem_o1)

    def gather_descs(p):
        return [
            pltpu.make_async_copy(
                w_hbm.at[idx_v.at[p].at[pl.ds(j * _IDXW, _IDXW)]],
                gath_v.at[p].at[pl.ds(j * _IDXW, _IDXW)],
                sem_g[p],
            )
            for j in range(_K)
        ]

    def store_descs(h, p):
        return [
            pltpu.make_async_copy(
                tr_v.at[p].at[pl.ds(et * _BTW * 1024, _BTW * 1024)],
                out_hbm.at[
                    h,
                    pl.ds(
                        pl.multiple_of(et * _BT * 1024 + bt0 * 1024, 8),
                        _BTW * 1024,
                    ),
                ],
                sem_o[p],
            )
            for et in range(_ET)
        ]

    def transpose(p):
        gv = gath_v.at[p]
        tv = tr_v.at[p]

        @plsc.parallel_loop(0, _CHUNK // 16, unroll=2)
        def _tr(g):
            rows = lanes + g * 16
            gbase = (g // 8) * 1024 + (g % 8) * 16
            for e in range(_EMBED_DIM):
                v = plsc.load_gather(gv, [rows, cols[e]])
                off = gbase + (e // 8) * _BTW * 1024 + (e % 8) * 128
                tv[pl.ds(pl.multiple_of(off, 8), 16)] = v

    pltpu.async_copy(idx_src(0), idx_v.at[0], sem_i)
    pltpu.make_async_copy(idx_src(0), idx_v.at[0], sem_i).wait()
    for d in gather_descs(0):
        d.start()
    pltpu.async_copy(idx_src(1), idx_v.at[1], sem_i)

    @pl.loop(0, _HIST, step=2)
    def _pair(h0):
        for s in (0, 1):
            h = h0 + s
            p, q = s, 1 - s
            @pl.when(h + 1 < _HIST)
            def _():
                pltpu.make_async_copy(idx_src(h + 1), idx_v.at[q], sem_i).wait()
                for d in gather_descs(q):
                    d.start()

            for d in gather_descs(p):
                d.wait()
            @pl.when(h + 2 < _HIST)
            def _():
                pltpu.async_copy(idx_src(h + 2), idx_v.at[p], sem_i)

            @pl.when(h >= 2)
            def _():
                for d in store_descs(0, p):
                    d.wait()

            transpose(p)
            for d in store_descs(h, p):
                d.start()

    for p in (0, 1):
        for d in store_descs(0, p):
            d.wait()


_embed = pl.kernel(
    _body,
    out_type=jax.ShapeDtypeStruct((_HIST, _HROW), jnp.float32),
    mesh=plsc.VectorSubcoreMesh(core_axis_name="c", subcore_axis_name="s"),
    scratch_types=[
        pltpu.VMEM((2, _CHUNK), jnp.int32),
        pltpu.VMEM((2, _CHUNK, _EMBED_DIM), jnp.float32),
        pltpu.VMEM((2, _ET * _BTW * 1024), jnp.float32),
        pltpu.SemaphoreType.DMA,
        pltpu.SemaphoreType.DMA,
        pltpu.SemaphoreType.DMA,
        pltpu.SemaphoreType.DMA,
        pltpu.SemaphoreType.DMA,
    ],
    compiler_params=pltpu.CompilerParams(
        use_tc_tiling_on_sc=False, needs_layout_passes=False
    ),
)


@jax.jit
def kernel(x, weight):
    xt = x.T.astype(jnp.int32)
    w_lin = lax.optimization_barrier(weight.reshape(_VOCAB // 8, 128))
    w_lin = w_lin.reshape(_VOCAB, _EMBED_DIM)
    img = _embed(w_lin, xt)
    img = img.reshape(_HIST, _ET, _BT, 8, 128)
    out = jnp.transpose(img, (2, 4, 0, 1, 3))
    return out.reshape(_BATCH, _HIST, _EMBED_DIM)

# --- scband reference (transcript-rebuilt; emitter-appended) ---
"""Pipeline reference for scband-embedding-40441412059869 (READ-ONLY COPY).

The authoritative reference and input builder live on the scoring server;
editing this copy changes nothing except your own understanding.
"""

import jax, jax.numpy as jnp
import numpy as np

VOCAB = 1000000
EMBED_DIM = 16
BATCH = 16384
HIST = 200

def setup_inputs(seed: int = 0) -> dict:
    key = jax.random.key(seed)
    k1, k2 = jax.random.split(key)
    x = jax.random.randint(k1, (BATCH, HIST), 0, VOCAB, dtype=jnp.int64 if jax.config.jax_enable_x64 else jnp.int32)
    weight = jax.random.normal(k2, (VOCAB, EMBED_DIM), dtype=jnp.float32)
    return {"x": x, "weight": weight}

def reference(x, weight):
    # Faithful to torch: self.embedding.weight[x] -> gather rows of the table
    return jnp.take(weight, x, axis=0)

if __name__ == "__main__":
    import jax
    _d = setup_inputs()
    print(jax.jit(kernel)(*tuple(_d.values())))

</pallas_src>

<mosaic_0001>
#map = affine_map<(d0, d1) -> (0, 0)>
module attributes {stable_mosaic.version = 14 : i64} {
  func.func @_body(%arg0: i32, %arg1: i32, %arg2: memref<1000000x16xf32, #tpu.memory_space<hbm>>, %arg3: memref<200x16384xi32, #tpu.memory_space<hbm>>, %arg4: memref<200x262144xf32, #tpu.memory_space<hbm>>, %arg5: memref<2x512xi32, #tpu.memory_space<vmem>>, %arg6: memref<2x512x16xf32, #tpu.memory_space<vmem>>, %arg7: memref<2x8192xf32, #tpu.memory_space<vmem>>, %arg8: memref<!tpu.dma_semaphore, #tpu.memory_space<semaphore_mem>>, %arg9: memref<!tpu.dma_semaphore, #tpu.memory_space<semaphore_mem>>, %arg10: memref<!tpu.dma_semaphore, #tpu.memory_space<semaphore_mem>>, %arg11: memref<!tpu.dma_semaphore, #tpu.memory_space<semaphore_mem>>, %arg12: memref<!tpu.dma_semaphore, #tpu.memory_space<semaphore_mem>>) attributes {dimension_semantics = [#tpu.dimension_semantics<core_parallel>, #tpu.dimension_semantics<subcore_parallel>], iteration_bounds = array<i64: 2, 16>, scalar_prefetch = 0 : i64, scratch_operands = 8 : i64, tpu.core_type = #tpu.core_type<sc_vector_subcore>, window_params = [{transform_indices = #map}, {transform_indices = #map}, {transform_indices = #map}]} {
    %mul3A = arith.constant 2 : i32
    %mul3A_0 = arith.muli %arg1, %mul3A : i32
    %add3A = arith.addi %mul3A_0, %arg0 : i32
    %mul3A_1 = arith.constant 512 : i32
    %mul3A_2 = arith.muli %add3A, %mul3A_1 : i32
    %multiple_of3A = tpu.assume_multiple %mul3A_2, 8 : i32
    %mul3A_3 = arith.constant 4 : i32
    %mul3A_4 = arith.muli %add3A, %mul3A_3 : i32
    %iota3A = tpu.iota {dimensions = array<i32: 0>} : vector<16xi32>
    %broadcast_in_dim3A = arith.constant 0 : i32
    %broadcast_in_dim3A_5 = vector.broadcast %broadcast_in_dim3A : i32 to vector<16xi32>
    %broadcast_in_dim3A_6 = arith.constant 1 : i32
    %broadcast_in_dim3A_7 = vector.broadcast %broadcast_in_dim3A_6 : i32 to vector<16xi32>
    %broadcast_in_dim3A_8 = arith.constant 2 : i32
    %broadcast_in_dim3A_9 = vector.broadcast %broadcast_in_dim3A_8 : i32 to vector<16xi32>
    %broadcast_in_dim3A_10 = arith.constant 3 : i32
    %broadcast_in_dim3A_11 = vector.broadcast %broadcast_in_dim3A_10 : i32 to vector<16xi32>
    %broadcast_in_dim3A_12 = arith.constant 4 : i32
    %broadcast_in_dim3A_13 = vector.broadcast %broadcast_in_dim3A_12 : i32 to vector<16xi32>
    %broadcast_in_dim3A_14 = arith.constant 5 : i32
    %broadcast_in_dim3A_15 = vector.broadcast %broadcast_in_dim3A_14 : i32 to vector<16xi32>
    %broadcast_in_dim3A_16 = arith.constant 6 : i32
    %broadcast_in_dim3A_17 = vector.broadcast %broadcast_in_dim3A_16 : i32 to vector<16xi32>
    %broadcast_in_dim3A_18 = arith.constant 7 : i32
    %broadcast_in_dim3A_19 = vector.broadcast %broadcast_in_dim3A_18 : i32 to vector<16xi32>
    %broadcast_in_dim3A_20 = arith.constant 8 : i32
    %broadcast_in_dim3A_21 = vector.broadcast %broadcast_in_dim3A_20 : i32 to vector<16xi32>
    %broadcast_in_dim3A_22 = arith.constant 9 : i32
    %broadcast_in_dim3A_23 = vector.broadcast %broadcast_in_dim3A_22 : i32 to vector<16xi32>
    %broadcast_in_dim3A_24 = arith.constant 10 : i32
    %broadcast_in_dim3A_25 = vector.broadcast %broadcast_in_dim3A_24 : i32 to vector<16xi32>
    %broadcast_in_dim3A_26 = arith.constant 11 : i32
    %broadcast_in_dim3A_27 = vector.broadcast %broadcast_in_dim3A_26 : i32 to vector<16xi32>
    %broadcast_in_dim3A_28 = arith.constant 12 : i32
    %broadcast_in_dim3A_29 = vector.broadcast %broadcast_in_dim3A_28 : i32 to vector<16xi32>
    %broadcast_in_dim3A_30 = arith.constant 13 : i32
    %broadcast_in_dim3A_31 = vector.broadcast %broadcast_in_dim3A_30 : i32 to vector<16xi32>
    %broadcast_in_dim3A_32 = arith.constant 14 : i32
    %broadcast_in_dim3A_33 = vector.broadcast %broadcast_in_dim3A_32 : i32 to vector<16xi32>
    %broadcast_in_dim3A_34 = arith.constant 15 : i32
    %broadcast_in_dim3A_35 = vector.broadcast %broadcast_in_dim3A_34 : i32 to vector<16xi32>
    %dma_start3A = arith.constant 0 : i32
    %dma_start3A_36 = arith.constant 0 : i32
    %dma_start3A_37 = arith.constant 0 : i32
    %dma_start3A_38 = tpu.memref_slice %arg5[%dma_start3A_36, %dma_start3A_37] : memref<2x512xi32, #tpu.memory_space<vmem>> -> memref<1x512xi32, #tpu.memory_space<vmem>>
    %dma_start3A_39 = tpu.memref_squeeze %dma_start3A_38 : memref<1x512xi32, #tpu.memory_space<vmem>> -> memref<512xi32, #tpu.memory_space<vmem>>
    %dma_start3A_40 = tpu.memref_slice %arg3[%dma_start3A, %multiple_of3A] : memref<200x16384xi32, #tpu.memory_space<hbm>> -> memref<1x512xi32, #tpu.memory_space<hbm>>
    %dma_start3A_41 = tpu.memref_squeeze %dma_start3A_40 : memref<1x512xi32, #tpu.memory_space<hbm>> -> memref<512xi32, #tpu.memory_space<hbm>>
    %dma_start3A_42 = arith.constant 0 : i32
    %dma_start3A_43 = tpu.memref_slice %arg5[%dma_start3A_36, %dma_start3A_42] : memref<2x512xi32, #tpu.memory_space<vmem>> -> memref<1x512xi32, #tpu.memory_space<vmem>>
    %dma_start3A_44 = tpu.memref_squeeze %dma_start3A_43 : memref<1x512xi32, #tpu.memory_space<vmem>> -> memref<512xi32, #tpu.memory_space<vmem>>
    %dma_start3A_45 = tpu.memref_slice %arg3[%dma_start3A, %multiple_of3A] : memref<200x16384xi32, #tpu.memory_space<hbm>> -> memref<1x512xi32, #tpu.memory_space<hbm>>
    %dma_start3A_46 = tpu.memref_squeeze %dma_start3A_45 : memref<1x512xi32, #tpu.memory_space<hbm>> -> memref<512xi32, #tpu.memory_space<hbm>>
    tpu.enqueue_dma source(%dma_start3A_46 : memref<512xi32, #tpu.memory_space<hbm>>) target(%dma_start3A_44 : memref<512xi32, #tpu.memory_space<vmem>>) target_semaphore(%arg8 : memref<!tpu.dma_semaphore, #tpu.memory_space<semaphore_mem>>)
    %dma_wait3A = arith.constant 0 : i32
    %dma_wait3A_47 = arith.constant 0 : i32
    %dma_wait3A_48 = arith.constant 0 : i32
    %dma_wait3A_49 = tpu.memref_slice %arg5[%dma_wait3A_47, %dma_wait3A_48] : memref<2x512xi32, #tpu.memory_space<vmem>> -> memref<1x512xi32, #tpu.memory_space<vmem>>
    %dma_wait3A_50 = tpu.memref_squeeze %dma_wait3A_49 : memref<1x512xi32, #tpu.memory_space<vmem>> -> memref<512xi32, #tpu.memory_space<vmem>>
    %dma_wait3A_51 = tpu.memref_slice %arg3[%dma_wait3A, %multiple_of3A] : memref<200x16384xi32, #tpu.memory_space<hbm>> -> memref<1x512xi32, #tpu.memory_space<hbm>>
    %dma_wait3A_52 = tpu.memref_squeeze %dma_wait3A_51 : memref<1x512xi32, #tpu.memory_space<hbm>> -> memref<512xi32, #tpu.memory_space<hbm>>
    %dma_wait3A_53 = arith.constant 0 : i32
    %dma_wait3A_54 = tpu.memref_slice %arg5[%dma_wait3A_47, %dma_wait3A_53] : memref<2x512xi32, #tpu.memory_space<vmem>> -> memref<1x512xi32, #tpu.memory_space<vmem>>
    %dma_wait3A_55 = tpu.memref_squeeze %dma_wait3A_54 : memref<1x512xi32, #tpu.memory_space<vmem>> -> memref<512xi32, #tpu.memory_space<vmem>>
    %dma_wait3A_56 = tpu.memref_slice %arg3[%dma_wait3A, %multiple_of3A] : memref<200x16384xi32, #tpu.memory_space<hbm>> -> memref<1x512xi32, #tpu.memory_space<hbm>>
    %dma_wait3A_57 = tpu.memref_squeeze %dma_wait3A_56 : memref<1x512xi32, #tpu.memory_space<hbm>> -> memref<512xi32, #tpu.memory_space<hbm>>
    tpu.wait_dma2 semaphore(%arg8 : memref<!tpu.dma_semaphore, #tpu.memory_space<semaphore_mem>>) src(%dma_wait3A_57 : memref<512xi32, #tpu.memory_space<hbm>>) dst(%dma_wait3A_55 : memref<512xi32, #tpu.memory_space<vmem>>)
    %dma_start3A_58 = arith.constant 0 : i32
    %dma_start3A_59 = arith.constant 0 : i32
    %dma_start3A_60 = arith.constant 0 : i32
    %dma_start3A_61 = arith.constant 0 : i32
    %dma_start3A_62 = tpu.memref_slice %arg6[%dma_start3A_59, %dma_start3A_60, %dma_start3A_61] : memref<2x512x16xf32, #tpu.memory_space<vmem>> -> memref<1x512x16xf32, #tpu.memory_space<vmem>>
    %dma_start3A_63 = tpu.memref_squeeze %dma_start3A_62 : memref<1x512x16xf32, #tpu.memory_space<vmem>> -> memref<512x16xf32, #tpu.memory_space<vmem>>
    %dma_start3A_64 = arith.constant 0 : i32
    %dma_start3A_65 = arith.constant 0 : i32
    %dma_start3A_66 = tpu.memref_slice %dma_start3A_63[%dma_start3A_64, %dma_start3A_65] : memref<512x16xf32, #tpu.memory_space<vmem>> -> memref<512x16xf32, #tpu.memory_space<vmem>>
    %dma_start3A_67 = arith.constant 0 : i32
    %dma_start3A_68 = tpu.memref_slice %arg5[%dma_start3A_58, %dma_start3A_67] : memref<2x512xi32, #tpu.memory_space<vmem>> -> memref<1x512xi32, #tpu.memory_space<vmem>>
    %dma_start3A_69 = tpu.memref_squeeze %dma_start3A_68 : memref<1x512xi32, #tpu.memory_space<vmem>> -> memref<512xi32, #tpu.memory_space<vmem>>
    %dma_start3A_70 = arith.constant 0 : i32
    %dma_start3A_71 = tpu.memref_slice %dma_start3A_69[%dma_start3A_70] : memref<512xi32, #tpu.memory_space<vmem>> -> memref<512xi32, #tpu.memory_space<vmem>>
    %dma_start3A_72 = arith.constant 0 : i32
    %dma_start3A_73 = arith.constant 0 : i32
    %dma_start3A_74 = tpu.memref_slice %arg2[%dma_start3A_72, %dma_start3A_73] : memref<1000000x16xf32, #tpu.memory_space<hbm>> -> memref<1000000x16xf32, #tpu.memory_space<hbm>>
    tpu.enqueue_indirect_dma source(%dma_start3A_74 : memref<1000000x16xf32, #tpu.memory_space<hbm>>) target(%dma_start3A_66 : memref<512x16xf32, #tpu.memory_space<vmem>>) offsets(%dma_start3A_71 : memref<512xi32, #tpu.memory_space<vmem>>) semaphore(%arg9 : memref<!tpu.dma_semaphore, #tpu.memory_space<semaphore_mem>>)
    %dma_start3A_75 = arith.constant 1 : i32
    %dma_start3A_76 = arith.constant 1 : i32
    %dma_start3A_77 = arith.constant 0 : i32
    %dma_start3A_78 = tpu.memref_slice %arg5[%dma_start3A_76, %dma_start3A_77] : memref<2x512xi32, #tpu.memory_space<vmem>> -> memref<1x512xi32, #tpu.memory_space<vmem>>
    %dma_start3A_79 = tpu.memref_squeeze %dma_start3A_78 : memref<1x512xi32, #tpu.memory_space<vmem>> -> memref<512xi32, #tpu.memory_space<vmem>>
    %dma_start3A_80 = tpu.memref_slice %arg3[%dma_start3A_75, %multiple_of3A] : memref<200x16384xi32, #tpu.memory_space<hbm>> -> memref<1x512xi32, #tpu.memory_space<hbm>>
    %dma_start3A_81 = tpu.memref_squeeze %dma_start3A_80 : memref<1x512xi32, #tpu.memory_space<hbm>> -> memref<512xi32, #tpu.memory_space<hbm>>
    %dma_start3A_82 = arith.constant 0 : i32
    %dma_start3A_83 = tpu.memref_slice %arg5[%dma_start3A_76, %dma_start3A_82] : memref<2x512xi32, #tpu.memory_space<vmem>> -> memref<1x512xi32, #tpu.memory_space<vmem>>
    %dma_start3A_84 = tpu.memref_squeeze %dma_start3A_83 : memref<1x512xi32, #tpu.memory_space<vmem>> -> memref<512xi32, #tpu.memory_space<vmem>>
    %dma_start3A_85 = tpu.memref_slice %arg3[%dma_start3A_75, %multiple_of3A] : memref<200x16384xi32, #tpu.memory_space<hbm>> -> memref<1x512xi32, #tpu.memory_space<hbm>>
    %dma_start3A_86 = tpu.memref_squeeze %dma_start3A_85 : memref<1x512xi32, #tpu.memory_space<hbm>> -> memref<512xi32, #tpu.memory_space<hbm>>
    tpu.enqueue_dma source(%dma_start3A_86 : memref<512xi32, #tpu.memory_space<hbm>>) target(%dma_start3A_84 : memref<512xi32, #tpu.memory_space<vmem>>) target_semaphore(%arg8 : memref<!tpu.dma_semaphore, #tpu.memory_space<semaphore_mem>>)
    %scan3A = arith.constant 0 : i32
    %scan3A_87 = arith.constant 100 : i32
    %scan3A_88 = arith.addi %scan3A, %scan3A_87 : i32
    %scan3A_89 = arith.constant 1 : i32
    scf.for %scan3A_175 = %scan3A to %scan3A_88 step %scan3A_89  : i32 {
      %mul3A_176 = arith.constant 2 : i32
      %mul3A_177 = arith.muli %scan3A_175, %mul3A_176 : i32
      %add3A_178 = arith.constant 0 : i32
      %add3A_179 = arith.addi %add3A_178, %mul3A_177 : i32
      %add3A_180 = arith.constant 0 : i32
      %add3A_181 = arith.addi %add3A_179, %add3A_180 : i32
      %add3A_182 = arith.constant 1 : i32
      %add3A_183 = arith.addi %add3A_181, %add3A_182 : i32
      %lt3A = arith.constant 200 : i32
      %lt3A_184 = arith.cmpi slt, %add3A_183, %lt3A : i32
      %convert_element_type3A = arith.extui %lt3A_184 : i1 to i32
      %cond3A = arith.constant 0 : i32
      %cond3A_185 = arith.cmpi ne, %convert_element_type3A, %cond3A : i32
      scf.if %cond3A_185 {
        %add3A_341 = arith.constant 1 : i32
        %add3A_342 = arith.addi %add3A_181, %add3A_341 : i32
        %dma_wait3A_343 = arith.constant 1 : i32
        %dma_wait3A_344 = arith.constant 0 : i32
        %dma_wait3A_345 = tpu.memref_slice %arg5[%dma_wait3A_343, %dma_wait3A_344] : memref<2x512xi32, #tpu.memory_space<vmem>> -> memref<1x512xi32, #tpu.memory_space<vmem>>
        %dma_wait3A_346 = tpu.memref_squeeze %dma_wait3A_345 : memref<1x512xi32, #tpu.memory_space<vmem>> -> memref<512xi32, #tpu.memory_space<vmem>>
        %dma_wait3A_347 = tpu.memref_slice %arg3[%add3A_342, %multiple_of3A] : memref<200x16384xi32, #tpu.memory_space<hbm>> -> memref<1x512xi32, #tpu.memory_space<hbm>>
        %dma_wait3A_348 = tpu.memref_squeeze %dma_wait3A_347 : memref<1x512xi32, #tpu.memory_space<hbm>> -> memref<512xi32, #tpu.memory_space<hbm>>
        %dma_wait3A_349 = arith.constant 0 : i32
        %dma_wait3A_350 = tpu.memref_slice %arg5[%dma_wait3A_343, %dma_wait3A_349] : memref<2x512xi32, #tpu.memory_space<vmem>> -> memref<1x512xi32, #tpu.memory_space<vmem>>
        %dma_wait3A_351 = tpu.memref_squeeze %dma_wait3A_350 : memref<1x512xi32, #tpu.memory_space<vmem>> -> memref<512xi32, #tpu.memory_space<vmem>>
        %dma_wait3A_352 = tpu.memref_slice %arg3[%add3A_342, %multiple_of3A] : memref<200x16384xi32, #tpu.memory_space<hbm>> -> memref<1x512xi32, #tpu.memory_space<hbm>>
        %dma_wait3A_353 = tpu.memref_squeeze %dma_wait3A_352 : memref<1x512xi32, #tpu.memory_space<hbm>> -> memref<512xi32, #tpu.memory_space<hbm>>
        tpu.wait_dma2 semaphore(%arg8 : memref<!tpu.dma_semaphore, #tpu.memory_space<semaphore_mem>>) src(%dma_wait3A_353 : memref<512xi32, #tpu.memory_space<hbm>>) dst(%dma_wait3A_351 : memref<512xi32, #tpu.memory_space<vmem>>)
        %dma_start3A_354 = arith.constant 1 : i32
        %dma_start3A_355 = arith.constant 1 : i32
        %dma_start3A_356 = arith.constant 0 : i32
        %dma_start3A_357 = arith.constant 0 : i32
        %dma_start3A_358 = tpu.memref_slice %arg6[%dma_start3A_355, %dma_start3A_356, %dma_start3A_357] : memref<2x512x16xf32, #tpu.memory_space<vmem>> -> memref<1x512x16xf32, #tpu.memory_space<vmem>>
        %dma_start3A_359 = tpu.memref_squeeze %dma_start3A_358 : memref<1x512x16xf32, #tpu.memory_space<vmem>> -> memref<512x16xf32, #tpu.memory_space<vmem>>
        %dma_start3A_360 = arith.constant 0 : i32
        %dma_start3A_361 = arith.constant 0 : i32
        %dma_start3A_362 = tpu.memref_slice %dma_start3A_359[%dma_start3A_360, %dma_start3A_361] : memref<512x16xf32, #tpu.memory_space<vmem>> -> memref<512x16xf32, #tpu.memory_space<vmem>>
        %dma_start3A_363 = arith.constant 0 : i32
        %dma_start3A_364 = tpu.memref_slice %arg5[%dma_start3A_354, %dma_start3A_363] : memref<2x512xi32, #tpu.memory_space<vmem>> -> memref<1x512xi32, #tpu.memory_space<vmem>>
        %dma_start3A_365 = tpu.memref_squeeze %dma_start3A_364 : memref<1x512xi32, #tpu.memory_space<vmem>> -> memref<512xi32, #tpu.memory_space<vmem>>
        %dma_start3A_366 = arith.constant 0 : i32
        %dma_start3A_367 = tpu.memref_slice %dma_start3A_365[%dma_start3A_366] : memref<512xi32, #tpu.memory_space<vmem>> -> memref<512xi32, #tpu.memory_space<vmem>>
        %dma_start3A_368 = arith.constant 0 : i32
        %dma_start3A_369 = arith.constant 0 : i32
        %dma_start3A_370 = tpu.memref_slice %arg2[%dma_start3A_368, %dma_start3A_369] : memref<1000000x16xf32, #tpu.memory_space<hbm>> -> memref<1000000x16xf32, #tpu.memory_space<hbm>>
        tpu.enqueue_indirect_dma source(%dma_start3A_370 : memref<1000000x16xf32, #tpu.memory_space<hbm>>) target(%dma_start3A_362 : memref<512x16xf32, #tpu.memory_space<vmem>>) offsets(%dma_start3A_367 : memref<512xi32, #tpu.memory_space<vmem>>) semaphore(%arg10 : memref<!tpu.dma_semaphore, #tpu.memory_space<semaphore_mem>>)
      } else {
      }
      %dma_wait3A_186 = arith.constant 0 : i32
      %dma_wait3A_187 = arith.constant 0 : i32
      %dma_wait3A_188 = arith.constant 0 : i32
      %dma_wait3A_189 = arith.constant 0 : i32
      %dma_wait3A_190 = tpu.memref_slice %arg6[%dma_wait3A_187, %dma_wait3A_188, %dma_wait3A_189] : memref<2x512x16xf32, #tpu.memory_space<vmem>> -> memref<1x512x16xf32, #tpu.memory_space<vmem>>
      %dma_wait3A_191 = tpu.memref_squeeze %dma_wait3A_190 : memref<1x512x16xf32, #tpu.memory_space<vmem>> -> memref<512x16xf32, #tpu.memory_space<vmem>>
      %dma_wait3A_192 = arith.constant 0 : i32
      %dma_wait3A_193 = arith.constant 0 : i32
      %dma_wait3A_194 = tpu.memref_slice %dma_wait3A_191[%dma_wait3A_192, %dma_wait3A_193] : memref<512x16xf32, #tpu.memory_space<vmem>> -> memref<512x16xf32, #tpu.memory_space<vmem>>
      %dma_wait3A_195 = arith.constant 0 : i32
      %dma_wait3A_196 = tpu.memref_slice %arg5[%dma_wait3A_186, %dma_wait3A_195] : memref<2x512xi32, #tpu.memory_space<vmem>> -> memref<1x512xi32, #tpu.memory_space<vmem>>
      %dma_wait3A_197 = tpu.memref_squeeze %dma_wait3A_196 : memref<1x512xi32, #tpu.memory_space<vmem>> -> memref<512xi32, #tpu.memory_space<vmem>>
      %dma_wait3A_198 = arith.constant 0 : i32
      %dma_wait3A_199 = tpu.memref_slice %dma_wait3A_197[%dma_wait3A_198] : memref<512xi32, #tpu.memory_space<vmem>> -> memref<512xi32, #tpu.memory_space<vmem>>
      %dma_wait3A_200 = arith.constant 0 : i32
      %dma_wait3A_201 = arith.constant 0 : i32
      %dma_wait3A_202 = tpu.memref_slice %arg2[%dma_wait3A_200, %dma_wait3A_201] : memref<1000000x16xf32, #tpu.memory_space<hbm>> -> memref<1000000x16xf32, #tpu.memory_space<hbm>>
      tpu.wait_indirect_dma semaphore(%arg9 : memref<!tpu.dma_semaphore, #tpu.memory_space<semaphore_mem>>) src(%dma_wait3A_202 : memref<1000000x16xf32, #tpu.memory_space<hbm>>) dst(%dma_wait3A_194 : memref<512x16xf32, #tpu.memory_space<vmem>>)
      %add3A_203 = arith.constant 2 : i32
      %add3A_204 = arith.addi %add3A_181, %add3A_203 : i32
      %lt3A_205 = arith.constant 200 : i32
      %lt3A_206 = arith.cmpi slt, %add3A_204, %lt3A_205 : i32
      %convert_element_type3A_207 = arith.extui %lt3A_206 : i1 to i32
      %cond3A_208 = arith.constant 0 : i32
      %cond3A_209 = arith.cmpi ne, %convert_element_type3A_207, %cond3A_208 : i32
      scf.if %cond3A_209 {
        %add3A_341 = arith.constant 2 : i32
        %add3A_342 = arith.addi %add3A_181, %add3A_341 : i32
        %dma_start3A_343 = arith.constant 0 : i32
        %dma_start3A_344 = arith.constant 0 : i32
        %dma_start3A_345 = tpu.memref_slice %arg5[%dma_start3A_343, %dma_start3A_344] : memref<2x512xi32, #tpu.memory_space<vmem>> -> memref<1x512xi32, #tpu.memory_space<vmem>>
        %dma_start3A_346 = tpu.memref_squeeze %dma_start3A_345 : memref<1x512xi32, #tpu.memory_space<vmem>> -> memref<512xi32, #tpu.memory_space<vmem>>
        %dma_start3A_347 = tpu.memref_slice %arg3[%add3A_342, %multiple_of3A] : memref<200x16384xi32, #tpu.memory_space<hbm>> -> memref<1x512xi32, #tpu.memory_space<hbm>>
        %dma_start3A_348 = tpu.memref_squeeze %dma_start3A_347 : memref<1x512xi32, #tpu.memory_space<hbm>> -> memref<512xi32, #tpu.memory_space<hbm>>
        %dma_start3A_349 = arith.constant 0 : i32
        %dma_start3A_350 = tpu.memref_slice %arg5[%dma_start3A_343, %dma_start3A_349] : memref<2x512xi32, #tpu.memory_space<vmem>> -> memref<1x512xi32, #tpu.memory_space<vmem>>
        %dma_start3A_351 = tpu.memref_squeeze %dma_start3A_350 : memref<1x512xi32, #tpu.memory_space<vmem>> -> memref<512xi32, #tpu.memory_space<vmem>>
        %dma_start3A_352 = tpu.memref_slice %arg3[%add3A_342, %multiple_of3A] : memref<200x16384xi32, #tpu.memory_space<hbm>> -> memref<1x512xi32, #tpu.memory_space<hbm>>
        %dma_start3A_353 = tpu.memref_squeeze %dma_start3A_352 : memref<1x512xi32, #tpu.memory_space<hbm>> -> memref<512xi32, #tpu.memory_space<hbm>>
        tpu.enqueue_dma source(%dma_start3A_353 : memref<512xi32, #tpu.memory_space<hbm>>) target(%dma_start3A_351 : memref<512xi32, #tpu.memory_space<vmem>>) target_semaphore(%arg8 : memref<!tpu.dma_semaphore, #tpu.memory_space<semaphore_mem>>)
      } else {
      }
      %ge3A = arith.constant 2 : i32
      %ge3A_210 = arith.cmpi sge, %add3A_181, %ge3A : i32
      %convert_element_type3A_211 = arith.extui %ge3A_210 : i1 to i32
      %cond3A_212 = arith.constant 0 : i32
      %cond3A_213 = arith.cmpi ne, %convert_element_type3A_211, %cond3A_212 : i32
      scf.if %cond3A_213 {
        %mul3A_341 = arith.constant 1024 : i32
        %mul3A_342 = arith.muli %mul3A_4, %mul3A_341 : i32
        %add3A_343 = arith.constant 0 : i32
        %add3A_344 = arith.addi %add3A_343, %mul3A_342 : i32
        %multiple_of3A_345 = tpu.assume_multiple %add3A_344, 8 : i32
        %mul3A_346 = arith.constant 1024 : i32
        %mul3A_347 = arith.muli %mul3A_4, %mul3A_346 : i32
        %add3A_348 = arith.constant 131072 : i32
        %add3A_349 = arith.addi %add3A_348, %mul3A_347 : i32
        %multiple_of3A_350 = tpu.assume_multiple %add3A_349, 8 : i32
        %dma_wait3A_351 = arith.constant 0 : i32
        %dma_wait3A_352 = arith.constant 0 : i32
        %dma_wait3A_353 = arith.constant 0 : i32
        %dma_wait3A_354 = tpu.memref_slice %arg7[%dma_wait3A_351, %dma_wait3A_353] : memref<2x8192xf32, #tpu.memory_space<vmem>> -> memref<1x8192xf32, #tpu.memory_space<vmem>>
        %dma_wait3A_355 = tpu.memref_squeeze %dma_wait3A_354 : memref<1x8192xf32, #tpu.memory_space<vmem>> -> memref<8192xf32, #tpu.memory_space<vmem>>
        %dma_wait3A_356 = arith.constant 0 : i32
        %dma_wait3A_357 = tpu.memref_slice %dma_wait3A_355[%dma_wait3A_356] : memref<8192xf32, #tpu.memory_space<vmem>> -> memref<4096xf32, #tpu.memory_space<vmem>>
        %dma_wait3A_358 = tpu.memref_slice %arg4[%dma_wait3A_352, %multiple_of3A_345] : memref<200x262144xf32, #tpu.memory_space<hbm>> -> memref<1x4096xf32, #tpu.memory_space<hbm>>
        %dma_wait3A_359 = tpu.memref_squeeze %dma_wait3A_358 : memref<1x4096xf32, #tpu.memory_space<hbm>> -> memref<4096xf32, #tpu.memory_space<hbm>>
        %dma_wait3A_360 = tpu.memref_slice %arg4[%dma_wait3A_352, %multiple_of3A_345] : memref<200x262144xf32, #tpu.memory_space<hbm>> -> memref<1x4096xf32, #tpu.memory_space<hbm>>
        %dma_wait3A_361 = tpu.memref_squeeze %dma_wait3A_360 : memref<1x4096xf32, #tpu.memory_space<hbm>> -> memref<4096xf32, #tpu.memory_space<hbm>>
        %dma_wait3A_362 = arith.constant 0 : i32
        %dma_wait3A_363 = tpu.memref_slice %arg7[%dma_wait3A_351, %dma_wait3A_362] : memref<2x8192xf32, #tpu.memory_space<vmem>> -> memref<1x8192xf32, #tpu.memory_space<vmem>>
        %dma_wait3A_364 = tpu.memref_squeeze %dma_wait3A_363 : memref<1x8192xf32, #tpu.memory_space<vmem>> -> memref<8192xf32, #tpu.memory_space<vmem>>
        %dma_wait3A_365 = arith.constant 0 : i32
        %dma_wait3A_366 = tpu.memref_slice %dma_wait3A_364[%dma_wait3A_365] : memref<8192xf32, #tpu.memory_space<vmem>> -> memref<4096xf32, #tpu.memory_space<vmem>>
        tpu.wait_dma2 semaphore(%arg11 : memref<!tpu.dma_semaphore, #tpu.memory_space<semaphore_mem>>) src(%dma_wait3A_366 : memref<4096xf32, #tpu.memory_space<vmem>>) dst(%dma_wait3A_361 : memref<4096xf32, #tpu.memory_space<hbm>>)
        %dma_wait3A_367 = arith.constant 0 : i32
        %dma_wait3A_368 = arith.constant 0 : i32
        %dma_wait3A_369 = arith.constant 0 : i32
        %dma_wait3A_370 = tpu.memref_slice %arg7[%dma_wait3A_367, %dma_wait3A_369] : memref<2x8192xf32, #tpu.memory_space<vmem>> -> memref<1x8192xf32, #tpu.memory_space<vmem>>
        %dma_wait3A_371 = tpu.memref_squeeze %dma_wait3A_370 : memref<1x8192xf32, #tpu.memory_space<vmem>> -> memref<8192xf32, #tpu.memory_space<vmem>>
        %dma_wait3A_372 = arith.constant 4096 : i32
        %dma_wait3A_373 = tpu.memref_slice %dma_wait3A_371[%dma_wait3A_372] : memref<8192xf32, #tpu.memory_space<vmem>> -> memref<4096xf32, #tpu.memory_space<vmem>>
        %dma_wait3A_374 = tpu.memref_slice %arg4[%dma_wait3A_368, %multiple_of3A_350] : memref<200x262144xf32, #tpu.memory_space<hbm>> -> memref<1x4096xf32, #tpu.memory_space<hbm>>
        %dma_wait3A_375 = tpu.memref_squeeze %dma_wait3A_374 : memref<1x4096xf32, #tpu.memory_space<hbm>> -> memref<4096xf32, #tpu.memory_space<hbm>>
        %dma_wait3A_376 = tpu.memref_slice %arg4[%dma_wait3A_368, %multiple_of3A_350] : memref<200x262144xf32, #tpu.memory_space<hbm>> -> memref<1x4096xf32, #tpu.memory_space<hbm>>
        %dma_wait3A_377 = tpu.memref_squeeze %dma_wait3A_376 : memref<1x4096xf32, #tpu.memory_space<hbm>> -> memref<4096xf32, #tpu.memory_space<hbm>>
        %dma_wait3A_378 = arith.constant 0 : i32
        %dma_wait3A_379 = tpu.memref_slice %arg7[%dma_wait3A_367, %dma_wait3A_378] : memref<2x8192xf32, #tpu.memory_space<vmem>> -> memref<1x8192xf32, #tpu.memory_space<vmem>>
        %dma_wait3A_380 = tpu.memref_squeeze %dma_wait3A_379 : memref<1x8192xf32, #tpu.memory_space<vmem>> -> memref<8192xf32, #tpu.memory_space<vmem>>
        %dma_wait3A_381 = arith.constant 4096 : i32
        %dma_wait3A_382 = tpu.memref_slice %dma_wait3A_380[%dma_wait3A_381] : memref<8192xf32, #tpu.memory_space<vmem>> -> memref<4096xf32, #tpu.memory_space<vmem>>
        tpu.wait_dma2 semaphore(%arg11 : memref<!tpu.dma_semaphore, #tpu.memory_space<semaphore_mem>>) src(%dma_wait3A_382 : memref<4096xf32, #tpu.memory_space<vmem>>) dst(%dma_wait3A_377 : memref<4096xf32, #tpu.memory_space<hbm>>)
      } else {
      }
      %parallel_loop3A = arith.constant 0 : i32
      %parallel_loop3A_214 = arith.constant 32 : i32
      %parallel_loop3A_215 = arith.constant 1 : i32
      %parallel_loop3A_216 = arith.constant 0 : i32
      %parallel_loop3A_217 = arith.constant 0 : i32
      scf.for %parallel_loop3A_341 = %parallel_loop3A to %parallel_loop3A_214 step %parallel_loop3A_215  : i32 {
        %parallel_loop3A_342 = arith.constant 16 : i32
        %parallel_loop3A_343 = arith.muli %parallel_loop3A_341, %parallel_loop3A_342 : i32
        %parallel_loop3A_344 = vector.broadcast %parallel_loop3A_343 : i32 to vector<16xi32>
        %parallel_loop3A_345 = arith.addi %iota3A, %parallel_loop3A_344 : vector<16xi32>
        %parallel_loop3A_346 = arith.constant 8 : i32
        %parallel_loop3A_347 = arith.divsi %parallel_loop3A_341, %parallel_loop3A_346 : i32
        %parallel_loop3A_348 = arith.constant 0 : i32
        %parallel_loop3A_349 = arith.cmpi sgt, %parallel_loop3A_341, %parallel_loop3A_348 : i32
        %parallel_loop3A_350 = arith.extui %parallel_loop3A_349 : i1 to i32
        %parallel_loop3A_351 = arith.constant 0 : i32
        %parallel_loop3A_352 = arith.cmpi slt, %parallel_loop3A_341, %parallel_loop3A_351 : i32
        %parallel_loop3A_353 = arith.extui %parallel_loop3A_352 : i1 to i32
        %parallel_loop3A_354 = arith.subi %parallel_loop3A_350, %parallel_loop3A_353 : i32
        %parallel_loop3A_355 = arith.constant 0 : i32
        %parallel_loop3A_356 = arith.cmpi sgt, %parallel_loop3A_346, %parallel_loop3A_355 : i32
        %parallel_loop3A_357 = arith.extui %parallel_loop3A_356 : i1 to i32
        %parallel_loop3A_358 = arith.constant 0 : i32
        %parallel_loop3A_359 = arith.cmpi slt, %parallel_loop3A_346, %parallel_loop3A_358 : i32
        %parallel_loop3A_360 = arith.extui %parallel_loop3A_359 : i1 to i32
        %parallel_loop3A_361 = arith.subi %parallel_loop3A_357, %parallel_loop3A_360 : i32
        %parallel_loop3A_362 = arith.cmpi ne, %parallel_loop3A_354, %parallel_loop3A_361 : i32
        %parallel_loop3A_363 = arith.remsi %parallel_loop3A_341, %parallel_loop3A_346 : i32
        %parallel_loop3A_364 = arith.constant 0 : i32
        %parallel_loop3A_365 = arith.cmpi ne, %parallel_loop3A_363, %parallel_loop3A_364 : i32
        %parallel_loop3A_366 = arith.andi %parallel_loop3A_362, %parallel_loop3A_365 : i1
        %parallel_loop3A_367 = arith.constant 1 : i32
        %parallel_loop3A_368 = arith.subi %parallel_loop3A_347, %parallel_loop3A_367 : i32
        %parallel_loop3A_369 = arith.select %parallel_loop3A_366, %parallel_loop3A_368, %parallel_loop3A_347 : i32
        %parallel_loop3A_370 = arith.constant 1024 : i32
        %parallel_loop3A_371 = arith.muli %parallel_loop3A_369, %parallel_loop3A_370 : i32
        %parallel_loop3A_372 = arith.constant 8 : i32
        %parallel_loop3A_373 = arith.constant 0 : i32
        %parallel_loop3A_374 = arith.cmpi eq, %parallel_loop3A_372, %parallel_loop3A_373 : i32
        %parallel_loop3A_375 = arith.constant 1 : i32
        %parallel_loop3A_376 = arith.select %parallel_loop3A_374, %parallel_loop3A_375, %parallel_loop3A_372 : i32
        %parallel_loop3A_377 = arith.remsi %parallel_loop3A_341, %parallel_loop3A_376 : i32
        %parallel_loop3A_378 = arith.constant 0 : i32
        %parallel_loop3A_379 = arith.cmpi ne, %parallel_loop3A_377, %parallel_loop3A_378 : i32
        %parallel_loop3A_380 = arith.constant 0 : i32
        %parallel_loop3A_381 = arith.cmpi slt, %parallel_loop3A_377, %parallel_loop3A_380 : i32
        %parallel_loop3A_382 = arith.constant 0 : i32
        %parallel_loop3A_383 = arith.cmpi slt, %parallel_loop3A_376, %parallel_loop3A_382 : i32
        %parallel_loop3A_384 = arith.xori %parallel_loop3A_381, %parallel_loop3A_383 : i1
        %parallel_loop3A_385 = arith.andi %parallel_loop3A_384, %parallel_loop3A_379 : i1
        %parallel_loop3A_386 = arith.addi %parallel_loop3A_377, %parallel_loop3A_376 : i32
        %parallel_loop3A_387 = arith.select %parallel_loop3A_385, %parallel_loop3A_386, %parallel_loop3A_377 : i32
        %parallel_loop3A_388 = arith.constant 16 : i32
        %parallel_loop3A_389 = arith.muli %parallel_loop3A_387, %parallel_loop3A_388 : i32
        %parallel_loop3A_390 = arith.addi %parallel_loop3A_371, %parallel_loop3A_389 : i32
        %parallel_loop3A_391 = arith.constant 0 : i32
        %parallel_loop3A_392 = arith.constant 0 : i32
        %parallel_loop3A_393 = tpu.memref_slice %arg6[%parallel_loop3A_216, %parallel_loop3A_391, %parallel_loop3A_392] : memref<2x512x16xf32, #tpu.memory_space<vmem>> -> memref<1x512x16xf32, #tpu.memory_space<vmem>>
        %parallel_loop3A_394 = tpu.memref_squeeze %parallel_loop3A_393 : memref<1x512x16xf32, #tpu.memory_space<vmem>> -> memref<512x16xf32, #tpu.memory_space<vmem>>
        %parallel_loop3A_395 = tpu.vector_load_idx %parallel_loop3A_394[%parallel_loop3A_345, %broadcast_in_dim3A_5] : memref<512x16xf32, #tpu.memory_space<vmem>>[vector<16xi32>, vector<16xi32>], vector<16xf32>,
        %parallel_loop3A_396 = arith.constant 0 : i32
        %parallel_loop3A_397 = arith.addi %parallel_loop3A_390, %parallel_loop3A_396 : i32
        %parallel_loop3A_398 = arith.constant 0 : i32
        %parallel_loop3A_399 = arith.addi %parallel_loop3A_397, %parallel_loop3A_398 : i32
        %parallel_loop3A_400 = tpu.assume_multiple %parallel_loop3A_399, 8 : i32
        %parallel_loop3A_401 = arith.constant 0 : i32
        %parallel_loop3A_402 = tpu.memref_slice %arg7[%parallel_loop3A_217, %parallel_loop3A_401] : memref<2x8192xf32, #tpu.memory_space<vmem>> -> memref<1x8192xf32, #tpu.memory_space<vmem>>
        %parallel_loop3A_403 = tpu.memref_squeeze %parallel_loop3A_402 : memref<1x8192xf32, #tpu.memory_space<vmem>> -> memref<8192xf32, #tpu.memory_space<vmem>>
        %parallel_loop3A_404 = arith.index_cast %parallel_loop3A_400 : i32 to index
        %parallel_loop3A_405 = tpu.vector_load %parallel_loop3A_403[%parallel_loop3A_404] {strides = array<i32>} : memref<8192xf32, #tpu.memory_space<vmem>>, vector<16xf32>,
        tpu.vector_store %parallel_loop3A_403[%parallel_loop3A_404], %parallel_loop3A_395 {strides = array<i32>} : memref<8192xf32, #tpu.memory_space<vmem>>, vector<16xf32>,
        %parallel_loop3A_406 = arith.constant 0 : i32
        %parallel_loop3A_407 = arith.constant 0 : i32
        %parallel_loop3A_408 = tpu.memref_slice %arg6[%parallel_loop3A_216, %parallel_loop3A_406, %parallel_loop3A_407] : memref<2x512x16xf32, #tpu.memory_space<vmem>> -> memref<1x512x16xf32, #tpu.memory_space<vmem>>
        %parallel_loop3A_409 = tpu.memref_squeeze %parallel_loop3A_408 : memref<1x512x16xf32, #tpu.memory_space<vmem>> -> memref<512x16xf32, #tpu.memory_space<vmem>>
        %parallel_loop3A_410 = tpu.vector_load_idx %parallel_loop3A_409[%parallel_loop3A_345, %broadcast_in_dim3A_7] : memref<512x16xf32, #tpu.memory_space<vmem>>[vector<16xi32>, vector<16xi32>], vector<16xf32>,
        %parallel_loop3A_411 = arith.constant 0 : i32
        %parallel_loop3A_412 = arith.addi %parallel_loop3A_390, %parallel_loop3A_411 : i32
        %parallel_loop3A_413 = arith.constant 128 : i32
        %parallel_loop3A_414 = arith.addi %parallel_loop3A_412, %parallel_loop3A_413 : i32
        %parallel_loop3A_415 = tpu.assume_multiple %parallel_loop3A_414, 8 : i32
        %parallel_loop3A_416 = arith.constant 0 : i32
        %parallel_loop3A_417 = tpu.memref_slice %arg7[%parallel_loop3A_217, %parallel_loop3A_416] : memref<2x8192xf32, #tpu.memory_space<vmem>> -> memref<1x8192xf32, #tpu.memory_space<vmem>>
        %parallel_loop3A_418 = tpu.memref_squeeze %parallel_loop3A_417 : memref<1x8192xf32, #tpu.memory_space<vmem>> -> memref<8192xf32, #tpu.memory_space<vmem>>
        %parallel_loop3A_419 = arith.index_cast %parallel_loop3A_415 : i32 to index
        %parallel_loop3A_420 = tpu.vector_load %parallel_loop3A_418[%parallel_loop3A_419] {strides = array<i32>} : memref<8192xf32, #tpu.memory_space<vmem>>, vector<16xf32>,
        tpu.vector_store %parallel_loop3A_418[%parallel_loop3A_419], %parallel_loop3A_410 {strides = array<i32>} : memref<8192xf32, #tpu.memory_space<vmem>>, vector<16xf32>,
        %parallel_loop3A_421 = arith.constant 0 : i32
        %parallel_loop3A_422 = arith.constant 0 : i32
        %parallel_loop3A_423 = tpu.memref_slice %arg6[%parallel_loop3A_216, %parallel_loop3A_421, %parallel_loop3A_422] : memref<2x512x16xf32, #tpu.memory_space<vmem>> -> memref<1x512x16xf32, #tpu.memory_space<vmem>>
        %parallel_loop3A_424 = tpu.memref_squeeze %parallel_loop3A_423 : memref<1x512x16xf32, #tpu.memory_space<vmem>> -> memref<512x16xf32, #tpu.memory_space<vmem>>
        %parallel_loop3A_425 = tpu.vector_load_idx %parallel_loop3A_424[%parallel_loop3A_345, %broadcast_in_dim3A_9] : memref<512x16xf32, #tpu.memory_space<vmem>>[vector<16xi32>, vector<16xi32>], vector<16xf32>,
        %parallel_loop3A_426 = arith.constant 0 : i32
        %parallel_loop3A_427 = arith.addi %parallel_loop3A_390, %parallel_loop3A_426 : i32
        %parallel_loop3A_428 = arith.constant 256 : i32
        %parallel_loop3A_429 = arith.addi %parallel_loop3A_427, %parallel_loop3A_428 : i32
        %parallel_loop3A_430 = tpu.assume_multiple %parallel_loop3A_429, 8 : i32
        %parallel_loop3A_431 = arith.constant 0 : i32
        %parallel_loop3A_432 = tpu.memref_slice %arg7[%parallel_loop3A_217, %parallel_loop3A_431] : memref<2x8192xf32, #tpu.memory_space<vmem>> -> memref<1x8192xf32, #tpu.memory_space<vmem>>
        %parallel_loop3A_433 = tpu.memref_squeeze %parallel_loop3A_432 : memref<1x8192xf32, #tpu.memory_space<vmem>> -> memref<8192xf32, #tpu.memory_space<vmem>>
        %parallel_loop3A_434 = arith.index_cast %parallel_loop3A_430 : i32 to index
        %parallel_loop3A_435 = tpu.vector_load %parallel_loop3A_433[%parallel_loop3A_434] {strides = array<i32>} : memref<8192xf32, #tpu.memory_space<vmem>>, vector<16xf32>,
        tpu.vector_store %parallel_loop3A_433[%parallel_loop3A_434], %parallel_loop3A_425 {strides = array<i32>} : memref<8192xf32, #tpu.memory_space<vmem>>, vector<16xf32>,
        %parallel_loop3A_436 = arith.constant 0 : i32
        %parallel_loop3A_437 = arith.constant 0 : i32
        %parallel_loop3A_438 = tpu.memref_slice %arg6[%parallel_loop3A_216, %parallel_loop3A_436, %parallel_loop3A_437] : memref<2x512x16xf32, #tpu.memory_space<vmem>> -> memref<1x512x16xf32, #tpu.memory_space<vmem>>
        %parallel_loop3A_439 = tpu.memref_squeeze %parallel_loop3A_438 : memref<1x512x16xf32, #tpu.memory_space<vmem>> -> memref<512x16xf32, #tpu.memory_space<vmem>>
        %parallel_loop3A_440 = tpu.vector_load_idx %parallel_loop3A_439[%parallel_loop3A_345, %broadcast_in_dim3A_11] : memref<512x16xf32, #tpu.memory_space<vmem>>[vector<16xi32>, vector<16xi32>], vector<16xf32>,
        %parallel_loop3A_441 = arith.constant 0 : i32
        %parallel_loop3A_442 = arith.addi %parallel_loop3A_390, %parallel_loop3A_441 : i32
        %parallel_loop3A_443 = arith.constant 384 : i32
        %parallel_loop3A_444 = arith.addi %parallel_loop3A_442, %parallel_loop3A_443 : i32
        %parallel_loop3A_445 = tpu.assume_multiple %parallel_loop3A_444, 8 : i32
        %parallel_loop3A_446 = arith.constant 0 : i32
        %parallel_loop3A_447 = tpu.memref_slice %arg7[%parallel_loop3A_217, %parallel_loop3A_446] : memref<2x8192xf32, #tpu.memory_space<vmem>> -> memref<1x8192xf32, #tpu.memory_space<vmem>>
        %parallel_loop3A_448 = tpu.memref_squeeze %parallel_loop3A_447 : memref<1x8192xf32, #tpu.memory_space<vmem>> -> memref<8192xf32, #tpu.memory_space<vmem>>
        %parallel_loop3A_449 = arith.index_cast %parallel_loop3A_445 : i32 to index
        %parallel_loop3A_450 = tpu.vector_load %parallel_loop3A_448[%parallel_loop3A_449] {strides = array<i32>} : memref<8192xf32, #tpu.memory_space<vmem>>, vector<16xf32>,
        tpu.vector_store %parallel_loop3A_448[%parallel_loop3A_449], %parallel_loop3A_440 {strides = array<i32>} : memref<8192xf32, #tpu.memory_space<vmem>>, vector<16xf32>,
        %parallel_loop3A_451 = arith.constant 0 : i32
        %parallel_loop3A_452 = arith.constant 0 : i32
        %parallel_loop3A_453 = tpu.memref_slice %arg6[%parallel_loop3A_216, %parallel_loop3A_451, %parallel_loop3A_452] : memref<2x512x16xf32, #tpu.memory_space<vmem>> -> memref<1x512x16xf32, #tpu.memory_space<vmem>>
        %parallel_loop3A_454 = tpu.memref_squeeze %parallel_loop3A_453 : memref<1x512x16xf32, #tpu.memory_space<vmem>> -> memref<512x16xf32, #tpu.memory_space<vmem>>
        %parallel_loop3A_455 = tpu.vector_load_idx %parallel_loop3A_454[%parallel_loop3A_345, %broadcast_in_dim3A_13] : memref<512x16xf32, #tpu.memory_space<vmem>>[vector<16xi32>, vector<16xi32>], vector<16xf32>,
        %parallel_loop3A_456 = arith.constant 0 : i32
        %parallel_loop3A_457 = arith.addi %parallel_loop3A_390, %parallel_loop3A_456 : i32
        %parallel_loop3A_458 = arith.constant 512 : i32
        %parallel_loop3A_459 = arith.addi %parallel_loop3A_457, %parallel_loop3A_458 : i32
        %parallel_loop3A_460 = tpu.assume_multiple %parallel_loop3A_459, 8 : i32
        %parallel_loop3A_461 = arith.constant 0 : i32
        %parallel_loop3A_462 = tpu.memref_slice %arg7[%parallel_loop3A_217, %parallel_loop3A_461] : memref<2x8192xf32, #tpu.memory_space<vmem>> -> memref<1x8192xf32, #tpu.memory_space<vmem>>
        %parallel_loop3A_463 = tpu.memref_squeeze %parallel_loop3A_462 : memref<1x8192xf32, #tpu.memory_space<vmem>> -> memref<8192xf32, #tpu.memory_space<vmem>>
        %parallel_loop3A_464 = arith.index_cast %parallel_loop3A_460 : i32 to index
        %parallel_loop3A_465 = tpu.vector_load %parallel_loop3A_463[%parallel_loop3A_464] {strides = array<i32>} : memref<8192xf32, #tpu.memory_space<vmem>>, vector<16xf32>,
        tpu.vector_store %parallel_loop3A_463[%parallel_loop3A_464], %parallel_loop3A_455 {strides = array<i32>} : memref<8192xf32, #tpu.memory_space<vmem>>, vector<16xf32>,
        %parallel_loop3A_466 = arith.constant 0 : i32
        %parallel_loop3A_467 = arith.constant 0 : i32
        %parallel_loop3A_468 = tpu.memref_slice %arg6[%parallel_loop3A_216, %parallel_loop3A_466, %parallel_loop3A_467] : memref<2x512x16xf32, #tpu.memory_space<vmem>> -> memref<1x512x16xf32, #tpu.memory_space<vmem>>
        %parallel_loop3A_469 = tpu.memref_squeeze %parallel_loop3A_468 : memref<1x512x16xf32, #tpu.memory_space<vmem>> -> memref<512x16xf32, #tpu.memory_space<vmem>>
        %parallel_loop3A_470 = tpu.vector_load_idx %parallel_loop3A_469[%parallel_loop3A_345, %broadcast_in_dim3A_15] : memref<512x16xf32, #tpu.memory_space<vmem>>[vector<16xi32>, vector<16xi32>], vector<16xf32>,
        %parallel_loop3A_471 = arith.constant 0 : i32
        %parallel_loop3A_472 = arith.addi %parallel_loop3A_390, %parallel_loop3A_471 : i32
        %parallel_loop3A_473 = arith.constant 640 : i32
        %parallel_loop3A_474 = arith.addi %parallel_loop3A_472, %parallel_loop3A_473 : i32
        %parallel_loop3A_475 = tpu.assume_multiple %parallel_loop3A_474, 8 : i32
        %parallel_loop3A_476 = arith.constant 0 : i32
        %parallel_loop3A_477 = tpu.memref_slice %arg7[%parallel_loop3A_217, %parallel_loop3A_476] : memref<2x8192xf32, #tpu.memory_space<vmem>> -> memref<1x8192xf32, #tpu.memory_space<vmem>>
        %parallel_loop3A_478 = tpu.memref_squeeze %parallel_loop3A_477 : memref<1x8192xf32, #tpu.memory_space<vmem>> -> memref<8192xf32, #tpu.memory_space<vmem>>
        %parallel_loop3A_479 = arith.index_cast %parallel_loop3A_475 : i32 to index
        %parallel_loop3A_480 = tpu.vector_load %parallel_loop3A_478[%parallel_loop3A_479] {strides = array<i32>} : memref<8192xf32, #tpu.memory_space<vmem>>, vector<16xf32>,
        tpu.vector_store %parallel_loop3A_478[%parallel_loop3A_479], %parallel_loop3A_470 {strides = array<i32>} : memref<8192xf32, #tpu.memory_space<vmem>>, vector<16xf32>,
        %parallel_loop3A_481 = arith.constant 0 : i32
        %parallel_loop3A_482 = arith.constant 0 : i32
        %parallel_loop3A_483 = tpu.memref_slice %arg6[%parallel_loop3A_216, %parallel_loop3A_481, %parallel_loop3A_482] : memref<2x512x16xf32, #tpu.memory_space<vmem>> -> memref<1x512x16xf32, #tpu.memory_space<vmem>>
        %parallel_loop3A_484 = tpu.memref_squeeze %parallel_loop3A_483 : memref<1x512x16xf32, #tpu.memory_space<vmem>> -> memref<512x16xf32, #tpu.memory_space<vmem>>
        %parallel_loop3A_485 = tpu.vector_load_idx %parallel_loop3A_484[%parallel_loop3A_345, %broadcast_in_dim3A_17] : memref<512x16xf32, #tpu.memory_space<vmem>>[vector<16xi32>, vector<16xi32>], vector<16xf32>,
        %parallel_loop3A_486 = arith.constant 0 : i32
        %parallel_loop3A_487 = arith.addi %parallel_loop3A_390, %parallel_loop3A_486 : i32
        %parallel_loop3A_488 = arith.constant 768 : i32
        %parallel_loop3A_489 = arith.addi %parallel_loop3A_487, %parallel_loop3A_488 : i32
        %parallel_loop3A_490 = tpu.assume_multiple %parallel_loop3A_489, 8 : i32
        %parallel_loop3A_491 = arith.constant 0 : i32
        %parallel_loop3A_492 = tpu.memref_slice %arg7[%parallel_loop3A_217, %parallel_loop3A_491] : memref<2x8192xf32, #tpu.memory_space<vmem>> -> memref<1x8192xf32, #tpu.memory_space<vmem>>
        %parallel_loop3A_493 = tpu.memref_squeeze %parallel_loop3A_492 : memref<1x8192xf32, #tpu.memory_space<vmem>> -> memref<8192xf32, #tpu.memory_space<vmem>>
        %parallel_loop3A_494 = arith.index_cast %parallel_loop3A_490 : i32 to index
        %parallel_loop3A_495 = tpu.vector_load %parallel_loop3A_493[%parallel_loop3A_494] {strides = array<i32>} : memref<8192xf32, #tpu.memory_space<vmem>>, vector<16xf32>,
        tpu.vector_store %parallel_loop3A_493[%parallel_loop3A_494], %parallel_loop3A_485 {strides = array<i32>} : memref<8192xf32, #tpu.memory_space<vmem>>, vector<16xf32>,
        %parallel_loop3A_496 = arith.constant 0 : i32
        %parallel_loop3A_497 = arith.constant 0 : i32
        %parallel_loop3A_498 = tpu.memref_slice %arg6[%parallel_loop3A_216, %parallel_loop3A_496, %parallel_loop3A_497] : memref<2x512x16xf32, #tpu.memory_space<vmem>> -> memref<1x512x16xf32, #tpu.memory_space<vmem>>
        %parallel_loop3A_499 = tpu.memref_squeeze %parallel_loop3A_498 : memref<1x512x16xf32, #tpu.memory_space<vmem>> -> memref<512x16xf32, #tpu.memory_space<vmem>>
        %parallel_loop3A_500 = tpu.vector_load_idx %parallel_loop3A_499[%parallel_loop3A_345, %broadcast_in_dim3A_19] : memref<512x16xf32, #tpu.memory_space<vmem>>[vector<16xi32>, vector<16xi32>], vector<16xf32>,
        %parallel_loop3A_501 = arith.constant 0 : i32
        %parallel_loop3A_502 = arith.addi %parallel_loop3A_390, %parallel_loop3A_501 : i32
        %parallel_loop3A_503 = arith.constant 896 : i32
        %parallel_loop3A_504 = arith.addi %parallel_loop3A_502, %parallel_loop3A_503 : i32
        %parallel_loop3A_505 = tpu.assume_multiple %parallel_loop3A_504, 8 : i32
        %parallel_loop3A_506 = arith.constant 0 : i32
        %parallel_loop3A_507 = tpu.memref_slice %arg7[%parallel_loop3A_217, %parallel_loop3A_506] : memref<2x8192xf32, #tpu.memory_space<vmem>> -> memref<1x8192xf32, #tpu.memory_space<vmem>>
        %parallel_loop3A_508 = tpu.memref_squeeze %parallel_loop3A_507 : memref<1x8192xf32, #tpu.memory_space<vmem>> -> memref<8192xf32, #tpu.memory_space<vmem>>
        %parallel_loop3A_509 = arith.index_cast %parallel_loop3A_505 : i32 to index
        %parallel_loop3A_510 = tpu.vector_load %parallel_loop3A_508[%parallel_loop3A_509] {strides = array<i32>} : memref<8192xf32, #tpu.memory_space<vmem>>, vector<16xf32>,
        tpu.vector_store %parallel_loop3A_508[%parallel_loop3A_509], %parallel_loop3A_500 {strides = array<i32>} : memref<8192xf32, #tpu.memory_space<vmem>>, vector<16xf32>,
        %parallel_loop3A_511 = arith.constant 0 : i32
        %parallel_loop3A_512 = arith.constant 0 : i32
        %parallel_loop3A_513 = tpu.memref_slice %arg6[%parallel_loop3A_216, %parallel_loop3A_511, %parallel_loop3A_512] : memref<2x512x16xf32, #tpu.memory_space<vmem>> -> memref<1x512x16xf32, #tpu.memory_space<vmem>>
        %parallel_loop3A_514 = tpu.memref_squeeze %parallel_loop3A_513 : memref<1x512x16xf32, #tpu.memory_space<vmem>> -> memref<512x16xf32, #tpu.memory_space<vmem>>
        %parallel_loop3A_515 = tpu.vector_load_idx %parallel_loop3A_514[%parallel_loop3A_345, %broadcast_in_dim3A_21] : memref<512x16xf32, #tpu.memory_space<vmem>>[vector<16xi32>, vector<16xi32>], vector<16xf32>,
        %parallel_loop3A_516 = arith.constant 4096 : i32
        %parallel_loop3A_517 = arith.addi %parallel_loop3A_390, %parallel_loop3A_516 : i32
        %parallel_loop3A_518 = arith.constant 0 : i32
        %parallel_loop3A_519 = arith.addi %parallel_loop3A_517, %parallel_loop3A_518 : i32
        %parallel_loop3A_520 = tpu.assume_multiple %parallel_loop3A_519, 8 : i32
        %parallel_loop3A_521 = arith.constant 0 : i32
        %parallel_loop3A_522 = tpu.memref_slice %arg7[%parallel_loop3A_217, %parallel_loop3A_521] : memref<2x8192xf32, #tpu.memory_space<vmem>> -> memref<1x8192xf32, #tpu.memory_space<vmem>>
        %parallel_loop3A_523 = tpu.memref_squeeze %parallel_loop3A_522 : memref<1x8192xf32, #tpu.memory_space<vmem>> -> memref<8192xf32, #tpu.memory_space<vmem>>
        %parallel_loop3A_524 = arith.index_cast %parallel_loop3A_520 : i32 to index
        %parallel_loop3A_525 = tpu.vector_load %parallel_loop3A_523[%parallel_loop3A_524] {strides = array<i32>} : memref<8192xf32, #tpu.memory_space<vmem>>, vector<16xf32>,
        tpu.vector_store %parallel_loop3A_523[%parallel_loop3A_524], %parallel_loop3A_515 {strides = array<i32>} : memref<8192xf32, #tpu.memory_space<vmem>>, vector<16xf32>,
        %parallel_loop3A_526 = arith.constant 0 : i32
        %parallel_loop3A_527 = arith.constant 0 : i32
        %parallel_loop3A_528 = tpu.memref_slice %arg6[%parallel_loop3A_216, %parallel_loop3A_526, %parallel_loop3A_527] : memref<2x512x16xf32, #tpu.memory_space<vmem>> -> memref<1x512x16xf32, #tpu.memory_space<vmem>>
        %parallel_loop3A_529 = tpu.memref_squeeze %parallel_loop3A_528 : memref<1x512x16xf32, #tpu.memory_space<vmem>> -> memref<512x16xf32, #tpu.memory_space<vmem>>
        %parallel_loop3A_530 = tpu.vector_load_idx %parallel_loop3A_529[%parallel_loop3A_345, %broadcast_in_dim3A_23] : memref<512x16xf32, #tpu.memory_space<vmem>>[vector<16xi32>, vector<16xi32>], vector<16xf32>,
        %parallel_loop3A_531 = arith.constant 4096 : i32
        %parallel_loop3A_532 = arith.addi %parallel_loop3A_390, %parallel_loop3A_531 : i32
        %parallel_loop3A_533 = arith.constant 128 : i32
        %parallel_loop3A_534 = arith.addi %parallel_loop3A_532, %parallel_loop3A_533 : i32
        %parallel_loop3A_535 = tpu.assume_multiple %parallel_loop3A_534, 8 : i32
        %parallel_loop3A_536 = arith.constant 0 : i32
        %parallel_loop3A_537 = tpu.memref_slice %arg7[%parallel_loop3A_217, %parallel_loop3A_536] : memref<2x8192xf32, #tpu.memory_space<vmem>> -> memref<1x8192xf32, #tpu.memory_space<vmem>>
        %parallel_loop3A_538 = tpu.memref_squeeze %parallel_loop3A_537 : memref<1x8192xf32, #tpu.memory_space<vmem>> -> memref<8192xf32, #tpu.memory_space<vmem>>
        %parallel_loop3A_539 = arith.index_cast %parallel_loop3A_535 : i32 to index
        %parallel_loop3A_540 = tpu.vector_load %parallel_loop3A_538[%parallel_loop3A_539] {strides = array<i32>} : memref<8192xf32, #tpu.memory_space<vmem>>, vector<16xf32>,
        tpu.vector_store %parallel_loop3A_538[%parallel_loop3A_539], %parallel_loop3A_530 {strides = array<i32>} : memref<8192xf32, #tpu.memory_space<vmem>>, vector<16xf32>,
        %parallel_loop3A_541 = arith.constant 0 : i32
        %parallel_loop3A_542 = arith.constant 0 : i32
        %parallel_loop3A_543 = tpu.memref_slice %arg6[%parallel_loop3A_216, %parallel_loop3A_541, %parallel_loop3A_542] : memref<2x512x16xf32, #tpu.memory_space<vmem>> -> memref<1x512x16xf32, #tpu.memory_space<vmem>>
        %parallel_loop3A_544 = tpu.memref_squeeze %parallel_loop3A_543 : memref<1x512x16xf32, #tpu.memory_space<vmem>> -> memref<512x16xf32, #tpu.memory_space<vmem>>
        %parallel_loop3A_545 = tpu.vector_load_idx %parallel_loop3A_544[%parallel_loop3A_345, %broadcast_in_dim3A_25] : memref<512x16xf32, #tpu.memory_space<vmem>>[vector<16xi32>, vector<16xi32>], vector<16xf32>,
        %parallel_loop3A_546 = arith.constant 4096 : i32
        %parallel_loop3A_547 = arith.addi %parallel_loop3A_390, %parallel_loop3A_546 : i32
        %parallel_loop3A_548 = arith.constant 256 : i32
        %parallel_loop3A_549 = arith.addi %parallel_loop3A_547, %parallel_loop3A_548 : i32
        %parallel_loop3A_550 = tpu.assume_multiple %parallel_loop3A_549, 8 : i32
        %parallel_loop3A_551 = arith.constant 0 : i32
        %parallel_loop3A_552 = tpu.memref_slice %arg7[%parallel_loop3A_217, %parallel_loop3A_551] : memref<2x8192xf32, #tpu.memory_space<vmem>> -> memref<1x8192xf32, #tpu.memory_space<vmem>>
        %parallel_loop3A_553 = tpu.memref_squeeze %parallel_loop3A_552 : memref<1x8192xf32, #tpu.memory_space<vmem>> -> memref<8192xf32, #tpu.memory_space<vmem>>
        %parallel_loop3A_554 = arith.index_cast %parallel_loop3A_550 : i32 to index
        %parallel_loop3A_555 = tpu.vector_load %parallel_loop3A_553[%parallel_loop3A_554] {strides = array<i32>} : memref<8192xf32, #tpu.memory_space<vmem>>, vector<16xf32>,
        tpu.vector_store %parallel_loop3A_553[%parallel_loop3A_554], %parallel_loop3A_545 {strides = array<i32>} : memref<8192xf32, #tpu.memory_space<vmem>>, vector<16xf32>,
        %parallel_loop3A_556 = arith.constant 0 : i32
        %parallel_loop3A_557 = arith.constant 0 : i32
        %parallel_loop3A_558 = tpu.memref_slice %arg6[%parallel_loop3A_216, %parallel_loop3A_556, %parallel_loop3A_557] : memref<2x512x16xf32, #tpu.memory_space<vmem>> -> memref<1x512x16xf32, #tpu.memory_space<vmem>>
        %parallel_loop3A_559 = tpu.memref_squeeze %parallel_loop3A_558 : memref<1x512x16xf32, #tpu.memory_space<vmem>> -> memref<512x16xf32, #tpu.memory_space<vmem>>
        %parallel_loop3A_560 = tpu.vector_load_idx %parallel_loop3A_559[%parallel_loop3A_345, %broadcast_in_dim3A_27] : memref<512x16xf32, #tpu.memory_space<vmem>>[vector<16xi32>, vector<16xi32>], vector<16xf32>,
        %parallel_loop3A_561 = arith.constant 4096 : i32
        %parallel_loop3A_562 = arith.addi %parallel_loop3A_390, %parallel_loop3A_561 : i32
        %parallel_loop3A_563 = arith.constant 384 : i32
        %parallel_loop3A_564 = arith.addi %parallel_loop3A_562, %parallel_loop3A_563 : i32
        %parallel_loop3A_565 = tpu.assume_multiple %parallel_loop3A_564, 8 : i32
        %parallel_loop3A_566 = arith.constant 0 : i32
        %parallel_loop3A_567 = tpu.memref_slice %arg7[%parallel_loop3A_217, %parallel_loop3A_566] : memref<2x8192xf32, #tpu.memory_space<vmem>> -> memref<1x8192xf32, #tpu.memory_space<vmem>>
        %parallel_loop3A_568 = tpu.memref_squeeze %parallel_loop3A_567 : memref<1x8192xf32, #tpu.memory_space<vmem>> -> memref<8192xf32, #tpu.memory_space<vmem>>
        %parallel_loop3A_569 = arith.index_cast %parallel_loop3A_565 : i32 to index
        %parallel_loop3A_570 = tpu.vector_load %parallel_loop3A_568[%parallel_loop3A_569] {strides = array<i32>} : memref<8192xf32, #tpu.memory_space<vmem>>, vector<16xf32>,
        tpu.vector_store %parallel_loop3A_568[%parallel_loop3A_569], %parallel_loop3A_560 {strides = array<i32>} : memref<8192xf32, #tpu.memory_space<vmem>>, vector<16xf32>,
        %parallel_loop3A_571 = arith.constant 0 : i32
        %parallel_loop3A_572 = arith.constant 0 : i32
        %parallel_loop3A_573 = tpu.memref_slice %arg6[%parallel_loop3A_216, %parallel_loop3A_571, %parallel_loop3A_572] : memref<2x512x16xf32, #tpu.memory_space<vmem>> -> memref<1x512x16xf32, #tpu.memory_space<vmem>>
        %parallel_loop3A_574 = tpu.memref_squeeze %parallel_loop3A_573 : memref<1x512x16xf32, #tpu.memory_space<vmem>> -> memref<512x16xf32, #tpu.memory_space<vmem>>
        %parallel_loop3A_575 = tpu.vector_load_idx %parallel_loop3A_574[%parallel_loop3A_345, %broadcast_in_dim3A_29] : memref<512x16xf32, #tpu.memory_space<vmem>>[vector<16xi32>, vector<16xi32>], vector<16xf32>,
        %parallel_loop3A_576 = arith.constant 4096 : i32
        %parallel_loop3A_577 = arith.addi %parallel_loop3A_390, %parallel_loop3A_576 : i32
        %parallel_loop3A_578 = arith.constant 512 : i32
        %parallel_loop3A_579 = arith.addi %parallel_loop3A_577, %parallel_loop3A_578 : i32
        %parallel_loop3A_580 = tpu.assume_multiple %parallel_loop3A_579, 8 : i32
        %parallel_loop3A_581 = arith.constant 0 : i32
        %parallel_loop3A_582 = tpu.memref_slice %arg7[%parallel_loop3A_217, %parallel_loop3A_581] : memref<2x8192xf32, #tpu.memory_space<vmem>> -> memref<1x8192xf32, #tpu.memory_space<vmem>>
        %parallel_loop3A_583 = tpu.memref_squeeze %parallel_loop3A_582 : memref<1x8192xf32, #tpu.memory_space<vmem>> -> memref<8192xf32, #tpu.memory_space<vmem>>
        %parallel_loop3A_584 = arith.index_cast %parallel_loop3A_580 : i32 to index
        %parallel_loop3A_585 = tpu.vector_load %parallel_loop3A_583[%parallel_loop3A_584] {strides = array<i32>} : memref<8192xf32, #tpu.memory_space<vmem>>, vector<16xf32>,
        tpu.vector_store %parallel_loop3A_583[%parallel_loop3A_584], %parallel_loop3A_575 {strides = array<i32>} : memref<8192xf32, #tpu.memory_space<vmem>>, vector<16xf32>,
        %parallel_loop3A_586 = arith.constant 0 : i32
        %parallel_loop3A_587 = arith.constant 0 : i32
        %parallel_loop3A_588 = tpu.memref_slice %arg6[%parallel_loop3A_216, %parallel_loop3A_586, %parallel_loop3A_587] : memref<2x512x16xf32, #tpu.memory_space<vmem>> -> memref<1x512x16xf32, #tpu.memory_space<vmem>>
        %parallel_loop3A_589 = tpu.memref_squeeze %parallel_loop3A_588 : memref<1x512x16xf32, #tpu.memory_space<vmem>> -> memref<512x16xf32, #tpu.memory_space<vmem>>
        %parallel_loop3A_590 = tpu.vector_load_idx %parallel_loop3A_589[%parallel_loop3A_345, %broadcast_in_dim3A_31] : memref<512x16xf32, #tpu.memory_space<vmem>>[vector<16xi32>, vector<16xi32>], vector<16xf32>,
        %parallel_loop3A_591 = arith.constant 4096 : i32
        %parallel_loop3A_592 = arith.addi %parallel_loop3A_390, %parallel_loop3A_591 : i32
        %parallel_loop3A_593 = arith.constant 640 : i32
        %parallel_loop3A_594 = arith.addi %parallel_loop3A_592, %parallel_loop3A_593 : i32
        %parallel_loop3A_595 = tpu.assume_multiple %parallel_loop3A_594, 8 : i32
        %parallel_loop3A_596 = arith.constant 0 : i32
        %parallel_loop3A_597 = tpu.memref_slice %arg7[%parallel_loop3A_217, %parallel_loop3A_596] : memref<2x8192xf32, #tpu.memory_space<vmem>> -> memref<1x8192xf32, #tpu.memory_space<vmem>>
        %parallel_loop3A_598 = tpu.memref_squeeze %parallel_loop3A_597 : memref<1x8192xf32, #tpu.memory_space<vmem>> -> memref<8192xf32, #tpu.memory_space<vmem>>
        %parallel_loop3A_599 = arith.index_cast %parallel_loop3A_595 : i32 to index
        %parallel_loop3A_600 = tpu.vector_load %parallel_loop3A_598[%parallel_loop3A_599] {strides = array<i32>} : memref<8192xf32, #tpu.memory_space<vmem>>, vector<16xf32>,
        tpu.vector_store %parallel_loop3A_598[%parallel_loop3A_599], %parallel_loop3A_590 {strides = array<i32>} : memref<8192xf32, #tpu.memory_space<vmem>>, vector<16xf32>,
        %parallel_loop3A_601 = arith.constant 0 : i32
        %parallel_loop3A_602 = arith.constant 0 : i32
        %parallel_loop3A_603 = tpu.memref_slice %arg6[%parallel_loop3A_216, %parallel_loop3A_601, %parallel_loop3A_602] : memref<2x512x16xf32, #tpu.memory_space<vmem>> -> memref<1x512x16xf32, #tpu.memory_space<vmem>>
        %parallel_loop3A_604 = tpu.memref_squeeze %parallel_loop3A_603 : memref<1x512x16xf32, #tpu.memory_space<vmem>> -> memref<512x16xf32, #tpu.memory_space<vmem>>
        %parallel_loop3A_605 = tpu.vector_load_idx %parallel_loop3A_604[%parallel_loop3A_345, %broadcast_in_dim3A_33] : memref<512x16xf32, #tpu.memory_space<vmem>>[vector<16xi32>, vector<16xi32>], vector<16xf32>,
        %parallel_loop3A_606 = arith.constant 4096 : i32
        %parallel_loop3A_607 = arith.addi %parallel_loop3A_390, %parallel_loop3A_606 : i32
        %parallel_loop3A_608 = arith.constant 768 : i32
        %parallel_loop3A_609 = arith.addi %parallel_loop3A_607, %parallel_loop3A_608 : i32
        %parallel_loop3A_610 = tpu.assume_multiple %parallel_loop3A_609, 8 : i32
        %parallel_loop3A_611 = arith.constant 0 : i32
        %parallel_loop3A_612 = tpu.memref_slice %arg7[%parallel_loop3A_217, %parallel_loop3A_611] : memref<2x8192xf32, #tpu.memory_space<vmem>> -> memref<1x8192xf32, #tpu.memory_space<vmem>>
        %parallel_loop3A_613 = tpu.memref_squeeze %parallel_loop3A_612 : memref<1x8192xf32, #tpu.memory_space<vmem>> -> memref<8192xf32, #tpu.memory_space<vmem>>
        %parallel_loop3A_614 = arith.index_cast %parallel_loop3A_610 : i32 to index
        %parallel_loop3A_615 = tpu.vector_load %parallel_loop3A_613[%parallel_loop3A_614] {strides = array<i32>} : memref<8192xf32, #tpu.memory_space<vmem>>, vector<16xf32>,
        tpu.vector_store %parallel_loop3A_613[%parallel_loop3A_614], %parallel_loop3A_605 {strides = array<i32>} : memref<8192xf32, #tpu.memory_space<vmem>>, vector<16xf32>,
        %parallel_loop3A_616 = arith.constant 0 : i32
        %parallel_loop3A_617 = arith.constant 0 : i32
        %parallel_loop3A_618 = tpu.memref_slice %arg6[%parallel_loop3A_216, %parallel_loop3A_616, %parallel_loop3A_617] : memref<2x512x16xf32, #tpu.memory_space<vmem>> -> memref<1x512x16xf32, #tpu.memory_space<vmem>>
        %parallel_loop3A_619 = tpu.memref_squeeze %parallel_loop3A_618 : memref<1x512x16xf32, #tpu.memory_space<vmem>> -> memref<512x16xf32, #tpu.memory_space<vmem>>
        %parallel_loop3A_620 = tpu.vector_load_idx %parallel_loop3A_619[%parallel_loop3A_345, %broadcast_in_dim3A_35] : memref<512x16xf32, #tpu.memory_space<vmem>>[vector<16xi32>, vector<16xi32>], vector<16xf32>,
        %parallel_loop3A_621 = arith.constant 4096 : i32
        %parallel_loop3A_622 = arith.addi %parallel_loop3A_390, %parallel_loop3A_621 : i32
        %parallel_loop3A_623 = arith.constant 896 : i32
        %parallel_loop3A_624 = arith.addi %parallel_loop3A_622, %parallel_loop3A_623 : i32
        %parallel_loop3A_625 = tpu.assume_multiple %parallel_loop3A_624, 8 : i32
        %parallel_loop3A_626 = arith.constant 0 : i32
        %parallel_loop3A_627 = tpu.memref_slice %arg7[%parallel_loop3A_217, %parallel_loop3A_626] : memref<2x8192xf32, #tpu.memory_space<vmem>> -> memref<1x8192xf32, #tpu.memory_space<vmem>>
        %parallel_loop3A_628 = tpu.memref_squeeze %parallel_loop3A_627 : memref<1x8192xf32, #tpu.memory_space<vmem>> -> memref<8192xf32, #tpu.memory_space<vmem>>
        %parallel_loop3A_629 = arith.index_cast %parallel_loop3A_625 : i32 to index
        %parallel_loop3A_630 = tpu.vector_load %parallel_loop3A_628[%parallel_loop3A_629] {strides = array<i32>} : memref<8192xf32, #tpu.memory_space<vmem>>, vector<16xf32>,
        tpu.vector_store %parallel_loop3A_628[%parallel_loop3A_629], %parallel_loop3A_620 {strides = array<i32>} : memref<8192xf32, #tpu.memory_space<vmem>>, vector<16xf32>,
      } {sc.loop_unroll_factor = 2 : i64, sc.parallel_access}
      %mul3A_218 = arith.constant 1024 : i32
      %mul3A_219 = arith.muli %mul3A_4, %mul3A_218 : i32
      %add3A_220 = arith.constant 0 : i32
      %add3A_221 = arith.addi %add3A_220, %mul3A_219 : i32
      %multiple_of3A_222 = tpu.assume_multiple %add3A_221, 8 : i32
      %mul3A_223 = arith.constant 1024 : i32
      %mul3A_224 = arith.muli %mul3A_4, %mul3A_223 : i32
      %add3A_225 = arith.constant 131072 : i32
      %add3A_226 = arith.addi %add3A_225, %mul3A_224 : i32
      %multiple_of3A_227 = tpu.assume_multiple %add3A_226, 8 : i32
      %dma_start3A_228 = arith.constant 0 : i32
      %dma_start3A_229 = arith.constant 0 : i32
      %dma_start3A_230 = tpu.memref_slice %arg7[%dma_start3A_228, %dma_start3A_229] : memref<2x8192xf32, #tpu.memory_space<vmem>> -> memref<1x8192xf32, #tpu.memory_space<vmem>>
      %dma_start3A_231 = tpu.memref_squeeze %dma_start3A_230 : memref<1x8192xf32, #tpu.memory_space<vmem>> -> memref<8192xf32, #tpu.memory_space<vmem>>
      %dma_start3A_232 = arith.constant 0 : i32
      %dma_start3A_233 = tpu.memref_slice %dma_start3A_231[%dma_start3A_232] : memref<8192xf32, #tpu.memory_space<vmem>> -> memref<4096xf32, #tpu.memory_space<vmem>>
      %dma_start3A_234 = tpu.memref_slice %arg4[%add3A_181, %multiple_of3A_222] : memref<200x262144xf32, #tpu.memory_space<hbm>> -> memref<1x4096xf32, #tpu.memory_space<hbm>>
      %dma_start3A_235 = tpu.memref_squeeze %dma_start3A_234 : memref<1x4096xf32, #tpu.memory_space<hbm>> -> memref<4096xf32, #tpu.memory_space<hbm>>
      %dma_start3A_236 = tpu.memref_slice %arg4[%add3A_181, %multiple_of3A_222] : memref<200x262144xf32, #tpu.memory_space<hbm>> -> memref<1x4096xf32, #tpu.memory_space<hbm>>
      %dma_start3A_237 = tpu.memref_squeeze %dma_start3A_236 : memref<1x4096xf32, #tpu.memory_space<hbm>> -> memref<4096xf32, #tpu.memory_space<hbm>>
      %dma_start3A_238 = arith.constant 0 : i32
      %dma_start3A_239 = tpu.memref_slice %arg7[%dma_start3A_228, %dma_start3A_238] : memref<2x8192xf32, #tpu.memory_space<vmem>> -> memref<1x8192xf32, #tpu.memory_space<vmem>>
      %dma_start3A_240 = tpu.memref_squeeze %dma_start3A_239 : memref<1x8192xf32, #tpu.memory_space<vmem>> -> memref<8192xf32, #tpu.memory_space<vmem>>
      %dma_start3A_241 = arith.constant 0 : i32
      %dma_start3A_242 = tpu.memref_slice %dma_start3A_240[%dma_start3A_241] : memref<8192xf32, #tpu.memory_space<vmem>> -> memref<4096xf32, #tpu.memory_space<vmem>>
      tpu.enqueue_dma source(%dma_start3A_242 : memref<4096xf32, #tpu.memory_space<vmem>>) target(%dma_start3A_237 : memref<4096xf32, #tpu.memory_space<hbm>>) target_semaphore(%arg11 : memref<!tpu.dma_semaphore, #tpu.memory_space<semaphore_mem>>)
      %dma_start3A_243 = arith.constant 0 : i32
      %dma_start3A_244 = arith.constant 0 : i32
      %dma_start3A_245 = tpu.memref_slice %arg7[%dma_start3A_243, %dma_start3A_244] : memref<2x8192xf32, #tpu.memory_space<vmem>> -> memref<1x8192xf32, #tpu.memory_space<vmem>>
      %dma_start3A_246 = tpu.memref_squeeze %dma_start3A_245 : memref<1x8192xf32, #tpu.memory_space<vmem>> -> memref<8192xf32, #tpu.memory_space<vmem>>
      %dma_start3A_247 = arith.constant 4096 : i32
      %dma_start3A_248 = tpu.memref_slice %dma_start3A_246[%dma_start3A_247] : memref<8192xf32, #tpu.memory_space<vmem>> -> memref<4096xf32, #tpu.memory_space<vmem>>
      %dma_start3A_249 = tpu.memref_slice %arg4[%add3A_181, %multiple_of3A_227] : memref<200x262144xf32, #tpu.memory_space<hbm>> -> memref<1x4096xf32, #tpu.memory_space<hbm>>
      %dma_start3A_250 = tpu.memref_squeeze %dma_start3A_249 : memref<1x4096xf32, #tpu.memory_space<hbm>> -> memref<4096xf32, #tpu.memory_space<hbm>>
      %dma_start3A_251 = tpu.memref_slice %arg4[%add3A_181, %multiple_of3A_227] : memref<200x262144xf32, #tpu.memory_space<hbm>> -> memref<1x4096xf32, #tpu.memory_space<hbm>>
      %dma_start3A_252 = tpu.memref_squeeze %dma_start3A_251 : memref<1x4096xf32, #tpu.memory_space<hbm>> -> memref<4096xf32, #tpu.memory_space<hbm>>
      %dma_start3A_253 = arith.constant 0 : i32
      %dma_start3A_254 = tpu.memref_slice %arg7[%dma_start3A_243, %dma_start3A_253] : memref<2x8192xf32, #tpu.memory_space<vmem>> -> memref<1x8192xf32, #tpu.memory_space<vmem>>
      %dma_start3A_255 = tpu.memref_squeeze %dma_start3A_254 : memref<1x8192xf32, #tpu.memory_space<vmem>> -> memref<8192xf32, #tpu.memory_space<vmem>>
      %dma_start3A_256 = arith.constant 4096 : i32
      %dma_start3A_257 = tpu.memref_slice %dma_start3A_255[%dma_start3A_256] : memref<8192xf32, #tpu.memory_space<vmem>> -> memref<4096xf32, #tpu.memory_space<vmem>>
      tpu.enqueue_dma source(%dma_start3A_257 : memref<4096xf32, #tpu.memory_space<vmem>>) target(%dma_start3A_252 : memref<4096xf32, #tpu.memory_space<hbm>>) target_semaphore(%arg11 : memref<!tpu.dma_semaphore, #tpu.memory_space<semaphore_mem>>)
      %add3A_258 = arith.constant 1 : i32
      %add3A_259 = arith.addi %add3A_179, %add3A_258 : i32
      %add3A_260 = arith.constant 1 : i32
      %add3A_261 = arith.addi %add3A_259, %add3A_260 : i32
      %lt3A_262 = arith.constant 200 : i32
      %lt3A_263 = arith.cmpi slt, %add3A_261, %lt3A_262 : i32
      %convert_element_type3A_264 = arith.extui %lt3A_263 : i1 to i32
      %cond3A_265 = arith.constant 0 : i32
      %cond3A_266 = arith.cmpi ne, %convert_element_type3A_264, %cond3A_265 : i32
      scf.if %cond3A_266 {
        %add3A_341 = arith.constant 1 : i32
        %add3A_342 = arith.addi %add3A_259, %add3A_341 : i32
        %dma_wait3A_343 = arith.constant 0 : i32
        %dma_wait3A_344 = arith.constant 0 : i32
        %dma_wait3A_345 = tpu.memref_slice %arg5[%dma_wait3A_343, %dma_wait3A_344] : memref<2x512xi32, #tpu.memory_space<vmem>> -> memref<1x512xi32, #tpu.memory_space<vmem>>
        %dma_wait3A_346 = tpu.memref_squeeze %dma_wait3A_345 : memref<1x512xi32, #tpu.memory_space<vmem>> -> memref<512xi32, #tpu.memory_space<vmem>>
        %dma_wait3A_347 = tpu.memref_slice %arg3[%add3A_342, %multiple_of3A] : memref<200x16384xi32, #tpu.memory_space<hbm>> -> memref<1x512xi32, #tpu.memory_space<hbm>>
        %dma_wait3A_348 = tpu.memref_squeeze %dma_wait3A_347 : memref<1x512xi32, #tpu.memory_space<hbm>> -> memref<512xi32, #tpu.memory_space<hbm>>
        %dma_wait3A_349 = arith.constant 0 : i32
        %dma_wait3A_350 = tpu.memref_slice %arg5[%dma_wait3A_343, %dma_wait3A_349] : memref<2x512xi32, #tpu.memory_space<vmem>> -> memref<1x512xi32, #tpu.memory_space<vmem>>
        %dma_wait3A_351 = tpu.memref_squeeze %dma_wait3A_350 : memref<1x512xi32, #tpu.memory_space<vmem>> -> memref<512xi32, #tpu.memory_space<vmem>>
        %dma_wait3A_352 = tpu.memref_slice %arg3[%add3A_342, %multiple_of3A] : memref<200x16384xi32, #tpu.memory_space<hbm>> -> memref<1x512xi32, #tpu.memory_space<hbm>>
        %dma_wait3A_353 = tpu.memref_squeeze %dma_wait3A_352 : memref<1x512xi32, #tpu.memory_space<hbm>> -> memref<512xi32, #tpu.memory_space<hbm>>
        tpu.wait_dma2 semaphore(%arg8 : memref<!tpu.dma_semaphore, #tpu.memory_space<semaphore_mem>>) src(%dma_wait3A_353 : memref<512xi32, #tpu.memory_space<hbm>>) dst(%dma_wait3A_351 : memref<512xi32, #tpu.memory_space<vmem>>)
        %dma_start3A_354 = arith.constant 0 : i32
        %dma_start3A_355 = arith.constant 0 : i32
        %dma_start3A_356 = arith.constant 0 : i32
        %dma_start3A_357 = arith.constant 0 : i32
        %dma_start3A_358 = tpu.memref_slice %arg6[%dma_start3A_355, %dma_start3A_356, %dma_start3A_357] : memref<2x512x16xf32, #tpu.memory_space<vmem>> -> memref<1x512x16xf32, #tpu.memory_space<vmem>>
        %dma_start3A_359 = tpu.memref_squeeze %dma_start3A_358 : memref<1x512x16xf32, #tpu.memory_space<vmem>> -> memref<512x16xf32, #tpu.memory_space<vmem>>
        %dma_start3A_360 = arith.constant 0 : i32
        %dma_start3A_361 = arith.constant 0 : i32
        %dma_start3A_362 = tpu.memref_slice %dma_start3A_359[%dma_start3A_360, %dma_start3A_361] : memref<512x16xf32, #tpu.memory_space<vmem>> -> memref<512x16xf32, #tpu.memory_space<vmem>>
        %dma_start3A_363 = arith.constant 0 : i32
        %dma_start3A_364 = tpu.memref_slice %arg5[%dma_start3A_354, %dma_start3A_363] : memref<2x512xi32, #tpu.memory_space<vmem>> -> memref<1x512xi32, #tpu.memory_space<vmem>>
        %dma_start3A_365 = tpu.memref_squeeze %dma_start3A_364 : memref<1x512xi32, #tpu.memory_space<vmem>> -> memref<512xi32, #tpu.memory_space<vmem>>
        %dma_start3A_366 = arith.constant 0 : i32
        %dma_start3A_367 = tpu.memref_slice %dma_start3A_365[%dma_start3A_366] : memref<512xi32, #tpu.memory_space<vmem>> -> memref<512xi32, #tpu.memory_space<vmem>>
        %dma_start3A_368 = arith.constant 0 : i32
        %dma_start3A_369 = arith.constant 0 : i32
        %dma_start3A_370 = tpu.memref_slice %arg2[%dma_start3A_368, %dma_start3A_369] : memref<1000000x16xf32, #tpu.memory_space<hbm>> -> memref<1000000x16xf32, #tpu.memory_space<hbm>>
        tpu.enqueue_indirect_dma source(%dma_start3A_370 : memref<1000000x16xf32, #tpu.memory_space<hbm>>) target(%dma_start3A_362 : memref<512x16xf32, #tpu.memory_space<vmem>>) offsets(%dma_start3A_367 : memref<512xi32, #tpu.memory_space<vmem>>) semaphore(%arg9 : memref<!tpu.dma_semaphore, #tpu.memory_space<semaphore_mem>>)
      } else {
      }
      %dma_wait3A_267 = arith.constant 1 : i32
      %dma_wait3A_268 = arith.constant 1 : i32
      %dma_wait3A_269 = arith.constant 0 : i32
      %dma_wait3A_270 = arith.constant 0 : i32
      %dma_wait3A_271 = tpu.memref_slice %arg6[%dma_wait3A_268, %dma_wait3A_269, %dma_wait3A_270] : memref<2x512x16xf32, #tpu.memory_space<vmem>> -> memref<1x512x16xf32, #tpu.memory_space<vmem>>
      %dma_wait3A_272 = tpu.memref_squeeze %dma_wait3A_271 : memref<1x512x16xf32, #tpu.memory_space<vmem>> -> memref<512x16xf32, #tpu.memory_space<vmem>>
      %dma_wait3A_273 = arith.constant 0 : i32
      %dma_wait3A_274 = arith.constant 0 : i32
      %dma_wait3A_275 = tpu.memref_slice %dma_wait3A_272[%dma_wait3A_273, %dma_wait3A_274] : memref<512x16xf32, #tpu.memory_space<vmem>> -> memref<512x16xf32, #tpu.memory_space<vmem>>
      %dma_wait3A_276 = arith.constant 0 : i32
      %dma_wait3A_277 = tpu.memref_slice %arg5[%dma_wait3A_267, %dma_wait3A_276] : memref<2x512xi32, #tpu.memory_space<vmem>> -> memref<1x512xi32, #tpu.memory_space<vmem>>
      %dma_wait3A_278 = tpu.memref_squeeze %dma_wait3A_277 : memref<1x512xi32, #tpu.memory_space<vmem>> -> memref<512xi32, #tpu.memory_space<vmem>>
      %dma_wait3A_279 = arith.constant 0 : i32
      %dma_wait3A_280 = tpu.memref_slice %dma_wait3A_278[%dma_wait3A_279] : memref<512xi32, #tpu.memory_space<vmem>> -> memref<512xi32, #tpu.memory_space<vmem>>
      %dma_wait3A_281 = arith.constant 0 : i32
      %dma_wait3A_282 = arith.constant 0 : i32
      %dma_wait3A_283 = tpu.memref_slice %arg2[%dma_wait3A_281, %dma_wait3A_282] : memref<1000000x16xf32, #tpu.memory_space<hbm>> -> memref<1000000x16xf32, #tpu.memory_space<hbm>>
      tpu.wait_indirect_dma semaphore(%arg10 : memref<!tpu.dma_semaphore, #tpu.memory_space<semaphore_mem>>) src(%dma_wait3A_283 : memref<1000000x16xf32, #tpu.memory_space<hbm>>) dst(%dma_wait3A_275 : memref<512x16xf32, #tpu.memory_space<vmem>>)
      %add3A_284 = arith.constant 2 : i32
      %add3A_285 = arith.addi %add3A_259, %add3A_284 : i32
      %lt3A_286 = arith.constant 200 : i32
      %lt3A_287 = arith.cmpi slt, %add3A_285, %lt3A_286 : i32
      %convert_element_type3A_288 = arith.extui %lt3A_287 : i1 to i32
      %cond3A_289 = arith.constant 0 : i32
      %cond3A_290 = arith.cmpi ne, %convert_element_type3A_288, %cond3A_289 : i32
      scf.if %cond3A_290 {
        %add3A_341 = arith.constant 2 : i32
        %add3A_342 = arith.addi %add3A_259, %add3A_341 : i32
        %dma_start3A_343 = arith.constant 1 : i32
        %dma_start3A_344 = arith.constant 0 : i32
        %dma_start3A_345 = tpu.memref_slice %arg5[%dma_start3A_343, %dma_start3A_344] : memref<2x512xi32, #tpu.memory_space<vmem>> -> memref<1x512xi32, #tpu.memory_space<vmem>>
        %dma_start3A_346 = tpu.memref_squeeze %dma_start3A_345 : memref<1x512xi32, #tpu.memory_space<vmem>> -> memref<512xi32, #tpu.memory_space<vmem>>
        %dma_start3A_347 = tpu.memref_slice %arg3[%add3A_342, %multiple_of3A] : memref<200x16384xi32, #tpu.memory_space<hbm>> -> memref<1x512xi32, #tpu.memory_space<hbm>>
        %dma_start3A_348 = tpu.memref_squeeze %dma_start3A_347 : memref<1x512xi32, #tpu.memory_space<hbm>> -> memref<512xi32, #tpu.memory_space<hbm>>
        %dma_start3A_349 = arith.constant 0 : i32
        %dma_start3A_350 = tpu.memref_slice %arg5[%dma_start3A_343, %dma_start3A_349] : memref<2x512xi32, #tpu.memory_space<vmem>> -> memref<1x512xi32, #tpu.memory_space<vmem>>
        %dma_start3A_351 = tpu.memref_squeeze %dma_start3A_350 : memref<1x512xi32, #tpu.memory_space<vmem>> -> memref<512xi32, #tpu.memory_space<vmem>>
        %dma_start3A_352 = tpu.memref_slice %arg3[%add3A_342, %multiple_of3A] : memref<200x16384xi32, #tpu.memory_space<hbm>> -> memref<1x512xi32, #tpu.memory_space<hbm>>
        %dma_start3A_353 = tpu.memref_squeeze %dma_start3A_352 : memref<1x512xi32, #tpu.memory_space<hbm>> -> memref<512xi32, #tpu.memory_space<hbm>>
        tpu.enqueue_dma source(%dma_start3A_353 : memref<512xi32, #tpu.memory_space<hbm>>) target(%dma_start3A_351 : memref<512xi32, #tpu.memory_space<vmem>>) target_semaphore(%arg8 : memref<!tpu.dma_semaphore, #tpu.memory_space<semaphore_mem>>)
      } else {
      }
      %ge3A_291 = arith.constant 2 : i32
      %ge3A_292 = arith.cmpi sge, %add3A_259, %ge3A_291 : i32
      %convert_element_type3A_293 = arith.extui %ge3A_292 : i1 to i32
      %cond3A_294 = arith.constant 0 : i32
      %cond3A_295 = arith.cmpi ne, %convert_element_type3A_293, %cond3A_294 : i32
      scf.if %cond3A_295 {
        %mul3A_341 = arith.constant 1024 : i32
        %mul3A_342 = arith.muli %mul3A_4, %mul3A_341 : i32
        %add3A_343 = arith.constant 0 : i32
        %add3A_344 = arith.addi %add3A_343, %mul3A_342 : i32
        %multiple_of3A_345 = tpu.assume_multiple %add3A_344, 8 : i32
        %mul3A_346 = arith.constant 1024 : i32
        %mul3A_347 = arith.muli %mul3A_4, %mul3A_346 : i32
        %add3A_348 = arith.constant 131072 : i32
        %add3A_349 = arith.addi %add3A_348, %mul3A_347 : i32
        %multiple_of3A_350 = tpu.assume_multiple %add3A_349, 8 : i32
        %dma_wait3A_351 = arith.constant 1 : i32
        %dma_wait3A_352 = arith.constant 0 : i32
        %dma_wait3A_353 = arith.constant 0 : i32
        %dma_wait3A_354 = tpu.memref_slice %arg7[%dma_wait3A_351, %dma_wait3A_353] : memref<2x8192xf32, #tpu.memory_space<vmem>> -> memref<1x8192xf32, #tpu.memory_space<vmem>>
        %dma_wait3A_355 = tpu.memref_squeeze %dma_wait3A_354 : memref<1x8192xf32, #tpu.memory_space<vmem>> -> memref<8192xf32, #tpu.memory_space<vmem>>
        %dma_wait3A_356 = arith.constant 0 : i32
        %dma_wait3A_357 = tpu.memref_slice %dma_wait3A_355[%dma_wait3A_356] : memref<8192xf32, #tpu.memory_space<vmem>> -> memref<4096xf32, #tpu.memory_space<vmem>>
        %dma_wait3A_358 = tpu.memref_slice %arg4[%dma_wait3A_352, %multiple_of3A_345] : memref<200x262144xf32, #tpu.memory_space<hbm>> -> memref<1x4096xf32, #tpu.memory_space<hbm>>
        %dma_wait3A_359 = tpu.memref_squeeze %dma_wait3A_358 : memref<1x4096xf32, #tpu.memory_space<hbm>> -> memref<4096xf32, #tpu.memory_space<hbm>>
        %dma_wait3A_360 = tpu.memref_slice %arg4[%dma_wait3A_352, %multiple_of3A_345] : memref<200x262144xf32, #tpu.memory_space<hbm>> -> memref<1x4096xf32, #tpu.memory_space<hbm>>
        %dma_wait3A_361 = tpu.memref_squeeze %dma_wait3A_360 : memref<1x4096xf32, #tpu.memory_space<hbm>> -> memref<4096xf32, #tpu.memory_space<hbm>>
        %dma_wait3A_362 = arith.constant 0 : i32
        %dma_wait3A_363 = tpu.memref_slice %arg7[%dma_wait3A_351, %dma_wait3A_362] : memref<2x8192xf32, #tpu.memory_space<vmem>> -> memref<1x8192xf32, #tpu.memory_space<vmem>>
        %dma_wait3A_364 = tpu.memref_squeeze %dma_wait3A_363 : memref<1x8192xf32, #tpu.memory_space<vmem>> -> memref<8192xf32, #tpu.memory_space<vmem>>
        %dma_wait3A_365 = arith.constant 0 : i32
        %dma_wait3A_366 = tpu.memref_slice %dma_wait3A_364[%dma_wait3A_365] : memref<8192xf32, #tpu.memory_space<vmem>> -> memref<4096xf32, #tpu.memory_space<vmem>>
        tpu.wait_dma2 semaphore(%arg12 : memref<!tpu.dma_semaphore, #tpu.memory_space<semaphore_mem>>) src(%dma_wait3A_366 : memref<4096xf32, #tpu.memory_space<vmem>>) dst(%dma_wait3A_361 : memref<4096xf32, #tpu.memory_space<hbm>>)
        %dma_wait3A_367 = arith.constant 1 : i32
        %dma_wait3A_368 = arith.constant 0 : i32
        %dma_wait3A_369 = arith.constant 0 : i32
        %dma_wait3A_370 = tpu.memref_slice %arg7[%dma_wait3A_367, %dma_wait3A_369] : memref<2x8192xf32, #tpu.memory_space<vmem>> -> memref<1x8192xf32, #tpu.memory_space<vmem>>
        %dma_wait3A_371 = tpu.memref_squeeze %dma_wait3A_370 : memref<1x8192xf32, #tpu.memory_space<vmem>> -> memref<8192xf32, #tpu.memory_space<vmem>>
        %dma_wait3A_372 = arith.constant 4096 : i32
        %dma_wait3A_373 = tpu.memref_slice %dma_wait3A_371[%dma_wait3A_372] : memref<8192xf32, #tpu.memory_space<vmem>> -> memref<4096xf32, #tpu.memory_space<vmem>>
        %dma_wait3A_374 = tpu.memref_slice %arg4[%dma_wait3A_368, %multiple_of3A_350] : memref<200x262144xf32, #tpu.memory_space<hbm>> -> memref<1x4096xf32, #tpu.memory_space<hbm>>
        %dma_wait3A_375 = tpu.memref_squeeze %dma_wait3A_374 : memref<1x4096xf32, #tpu.memory_space<hbm>> -> memref<4096xf32, #tpu.memory_space<hbm>>
        %dma_wait3A_376 = tpu.memref_slice %arg4[%dma_wait3A_368, %multiple_of3A_350] : memref<200x262144xf32, #tpu.memory_space<hbm>> -> memref<1x4096xf32, #tpu.memory_space<hbm>>
        %dma_wait3A_377 = tpu.memref_squeeze %dma_wait3A_376 : memref<1x4096xf32, #tpu.memory_space<hbm>> -> memref<4096xf32, #tpu.memory_space<hbm>>
        %dma_wait3A_378 = arith.constant 0 : i32
        %dma_wait3A_379 = tpu.memref_slice %arg7[%dma_wait3A_367, %dma_wait3A_378] : memref<2x8192xf32, #tpu.memory_space<vmem>> -> memref<1x8192xf32, #tpu.memory_space<vmem>>
        %dma_wait3A_380 = tpu.memref_squeeze %dma_wait3A_379 : memref<1x8192xf32, #tpu.memory_space<vmem>> -> memref<8192xf32, #tpu.memory_space<vmem>>
        %dma_wait3A_381 = arith.constant 4096 : i32
        %dma_wait3A_382 = tpu.memref_slice %dma_wait3A_380[%dma_wait3A_381] : memref<8192xf32, #tpu.memory_space<vmem>> -> memref<4096xf32, #tpu.memory_space<vmem>>
        tpu.wait_dma2 semaphore(%arg12 : memref<!tpu.dma_semaphore, #tpu.memory_space<semaphore_mem>>) src(%dma_wait3A_382 : memref<4096xf32, #tpu.memory_space<vmem>>) dst(%dma_wait3A_377 : memref<4096xf32, #tpu.memory_space<hbm>>)
      } else {
      }
      %parallel_loop3A_296 = arith.constant 0 : i32
      %parallel_loop3A_297 = arith.constant 32 : i32
      %parallel_loop3A_298 = arith.constant 1 : i32
      %parallel_loop3A_299 = arith.constant 1 : i32
      %parallel_loop3A_300 = arith.constant 1 : i32
      scf.for %parallel_loop3A_341 = %parallel_loop3A_296 to %parallel_loop3A_297 step %parallel_loop3A_298  : i32 {
        %parallel_loop3A_342 = arith.constant 16 : i32
        %parallel_loop3A_343 = arith.muli %parallel_loop3A_341, %parallel_loop3A_342 : i32
        %parallel_loop3A_344 = vector.broadcast %parallel_loop3A_343 : i32 to vector<16xi32>
        %parallel_loop3A_345 = arith.addi %iota3A, %parallel_loop3A_344 : vector<16xi32>
        %parallel_loop3A_346 = arith.constant 8 : i32
        %parallel_loop3A_347 = arith.divsi %parallel_loop3A_341, %parallel_loop3A_346 : i32
        %parallel_loop3A_348 = arith.constant 0 : i32
        %parallel_loop3A_349 = arith.cmpi sgt, %parallel_loop3A_341, %parallel_loop3A_348 : i32
        %parallel_loop3A_350 = arith.extui %parallel_loop3A_349 : i1 to i32
        %parallel_loop3A_351 = arith.constant 0 : i32
        %parallel_loop3A_352 = arith.cmpi slt, %parallel_loop3A_341, %parallel_loop3A_351 : i32
        %parallel_loop3A_353 = arith.extui %parallel_loop3A_352 : i1 to i32
        %parallel_loop3A_354 = arith.subi %parallel_loop3A_350, %parallel_loop3A_353 : i32
        %parallel_loop3A_355 = arith.constant 0 : i32
        %parallel_loop3A_356 = arith.cmpi sgt, %parallel_loop3A_346, %parallel_loop3A_355 : i32
        %parallel_loop3A_357 = arith.extui %parallel_loop3A_356 : i1 to i32
        %parallel_loop3A_358 = arith.constant 0 : i32
        %parallel_loop3A_359 = arith.cmpi slt, %parallel_loop3A_346, %parallel_loop3A_358 : i32
        %parallel_loop3A_360 = arith.extui %parallel_loop3A_359 : i1 to i32
        %parallel_loop3A_361 = arith.subi %parallel_loop3A_357, %parallel_loop3A_360 : i32
        %parallel_loop3A_362 = arith.cmpi ne, %parallel_loop3A_354, %parallel_loop3A_361 : i32
        %parallel_loop3A_363 = arith.remsi %parallel_loop3A_341, %parallel_loop3A_346 : i32
        %parallel_loop3A_364 = arith.constant 0 : i32
        %parallel_loop3A_365 = arith.cmpi ne, %parallel_loop3A_363, %parallel_loop3A_364 : i32
        %parallel_loop3A_366 = arith.andi %parallel_loop3A_362, %parallel_loop3A_365 : i1
        %parallel_loop3A_367 = arith.constant 1 : i32
        %parallel_loop3A_368 = arith.subi %parallel_loop3A_347, %parallel_loop3A_367 : i32
        %parallel_loop3A_369 = arith.select %parallel_loop3A_366, %parallel_loop3A_368, %parallel_loop3A_347 : i32
        %parallel_loop3A_370 = arith.constant 1024 : i32
        %parallel_loop3A_371 = arith.muli %parallel_loop3A_369, %parallel_loop3A_370 : i32
        %parallel_loop3A_372 = arith.constant 8 : i32
        %parallel_loop3A_373 = arith.constant 0 : i32
        %parallel_loop3A_374 = arith.cmpi eq, %parallel_loop3A_372, %parallel_loop3A_373 : i32
        %parallel_loop3A_375 = arith.constant 1 : i32
        %parallel_loop3A_376 = arith.select %parallel_loop3A_374, %parallel_loop3A_375, %parallel_loop3A_372 : i32
        %parallel_loop3A_377 = arith.remsi %parallel_loop3A_341, %parallel_loop3A_376 : i32
        %parallel_loop3A_378 = arith.constant 0 : i32
        %parallel_loop3A_379 = arith.cmpi ne, %parallel_loop3A_377, %parallel_loop3A_378 : i32
        %parallel_loop3A_380 = arith.constant 0 : i32
        %parallel_loop3A_381 = arith.cmpi slt, %parallel_loop3A_377, %parallel_loop3A_380 : i32
        %parallel_loop3A_382 = arith.constant 0 : i32
        %parallel_loop3A_383 = arith.cmpi slt, %parallel_loop3A_376, %parallel_loop3A_382 : i32
        %parallel_loop3A_384 = arith.xori %parallel_loop3A_381, %parallel_loop3A_383 : i1
        %parallel_loop3A_385 = arith.andi %parallel_loop3A_384, %parallel_loop3A_379 : i1
        %parallel_loop3A_386 = arith.addi %parallel_loop3A_377, %parallel_loop3A_376 : i32
        %parallel_loop3A_387 = arith.select %parallel_loop3A_385, %parallel_loop3A_386, %parallel_loop3A_377 : i32
        %parallel_loop3A_388 = arith.constant 16 : i32
        %parallel_loop3A_389 = arith.muli %parallel_loop3A_387, %parallel_loop3A_388 : i32
        %parallel_loop3A_390 = arith.addi %parallel_loop3A_371, %parallel_loop3A_389 : i32
        %parallel_loop3A_391 = arith.constant 0 : i32
        %parallel_loop3A_392 = arith.constant 0 : i32
        %parallel_loop3A_393 = tpu.memref_slice %arg6[%parallel_loop3A_299, %parallel_loop3A_391, %parallel_loop3A_392] : memref<2x512x16xf32, #tpu.memory_space<vmem>> -> memref<1x512x16xf32, #tpu.memory_space<vmem>>
        %parallel_loop3A_394 = tpu.memref_squeeze %parallel_loop3A_393 : memref<1x512x16xf32, #tpu.memory_space<vmem>> -> memref<512x16xf32, #tpu.memory_space<vmem>>
        %parallel_loop3A_395 = tpu.vector_load_idx %parallel_loop3A_394[%parallel_loop3A_345, %broadcast_in_dim3A_5] : memref<512x16xf32, #tpu.memory_space<vmem>>[vector<16xi32>, vector<16xi32>], vector<16xf32>,
        %parallel_loop3A_396 = arith.constant 0 : i32
        %parallel_loop3A_397 = arith.addi %parallel_loop3A_390, %parallel_loop3A_396 : i32
        %parallel_loop3A_398 = arith.constant 0 : i32
        %parallel_loop3A_399 = arith.addi %parallel_loop3A_397, %parallel_loop3A_398 : i32
        %parallel_loop3A_400 = tpu.assume_multiple %parallel_loop3A_399, 8 : i32
        %parallel_loop3A_401 = arith.constant 0 : i32
        %parallel_loop3A_402 = tpu.memref_slice %arg7[%parallel_loop3A_300, %parallel_loop3A_401] : memref<2x8192xf32, #tpu.memory_space<vmem>> -> memref<1x8192xf32, #tpu.memory_space<vmem>>
        %parallel_loop3A_403 = tpu.memref_squeeze %parallel_loop3A_402 : memref<1x8192xf32, #tpu.memory_space<vmem>> -> memref<8192xf32, #tpu.memory_space<vmem>>
        %parallel_loop3A_404 = arith.index_cast %parallel_loop3A_400 : i32 to index
        %parallel_loop3A_405 = tpu.vector_load %parallel_loop3A_403[%parallel_loop3A_404] {strides = array<i32>} : memref<8192xf32, #tpu.memory_space<vmem>>, vector<16xf32>,
        tpu.vector_store %parallel_loop3A_403[%parallel_loop3A_404], %parallel_loop3A_395 {strides = array<i32>} : memref<8192xf32, #tpu.memory_space<vmem>>, vector<16xf32>,
        %parallel_loop3A_406 = arith.constant 0 : i32
        %parallel_loop3A_407 = arith.constant 0 : i32
        %parallel_loop3A_408 = tpu.memref_slice %arg6[%parallel_loop3A_299, %parallel_loop3A_406, %parallel_loop3A_407] : memref<2x512x16xf32, #tpu.memory_space<vmem>> -> memref<1x512x16xf32, #tpu.memory_space<vmem>>
        %parallel_loop3A_409 = tpu.memref_squeeze %parallel_loop3A_408 : memref<1x512x16xf32, #tpu.memory_space<vmem>> -> memref<512x16xf32, #tpu.memory_space<vmem>>
        %parallel_loop3A_410 = tpu.vector_load_idx %parallel_loop3A_409[%parallel_loop3A_345, %broadcast_in_dim3A_7] : memref<512x16xf32, #tpu.memory_space<vmem>>[vector<16xi32>, vector<16xi32>], vector<16xf32>,
        %parallel_loop3A_411 = arith.constant 0 : i32
        %parallel_loop3A_412 = arith.addi %parallel_loop3A_390, %parallel_loop3A_411 : i32
        %parallel_loop3A_413 = arith.constant 128 : i32
        %parallel_loop3A_414 = arith.addi %parallel_loop3A_412, %parallel_loop3A_413 : i32
        %parallel_loop3A_415 = tpu.assume_multiple %parallel_loop3A_414, 8 : i32
        %parallel_loop3A_416 = arith.constant 0 : i32
        %parallel_loop3A_417 = tpu.memref_slice %arg7[%parallel_loop3A_300, %parallel_loop3A_416] : memref<2x8192xf32, #tpu.memory_space<vmem>> -> memref<1x8192xf32, #tpu.memory_space<vmem>>
        %parallel_loop3A_418 = tpu.memref_squeeze %parallel_loop3A_417 : memref<1x8192xf32, #tpu.memory_space<vmem>> -> memref<8192xf32, #tpu.memory_space<vmem>>
        %parallel_loop3A_419 = arith.index_cast %parallel_loop3A_415 : i32 to index
        %parallel_loop3A_420 = tpu.vector_load %parallel_loop3A_418[%parallel_loop3A_419] {strides = array<i32>} : memref<8192xf32, #tpu.memory_space<vmem>>, vector<16xf32>,
        tpu.vector_store %parallel_loop3A_418[%parallel_loop3A_419], %parallel_loop3A_410 {strides = array<i32>} : memref<8192xf32, #tpu.memory_space<vmem>>, vector<16xf32>,
        %parallel_loop3A_421 = arith.constant 0 : i32
        %parallel_loop3A_422 = arith.constant 0 : i32
        %parallel_loop3A_423 = tpu.memref_slice %arg6[%parallel_loop3A_299, %parallel_loop3A_421, %parallel_loop3A_422] : memref<2x512x16xf32, #tpu.memory_space<vmem>> -> memref<1x512x16xf32, #tpu.memory_space<vmem>>
        %parallel_loop3A_424 = tpu.memref_squeeze %parallel_loop3A_423 : memref<1x512x16xf32, #tpu.memory_space<vmem>> -> memref<512x16xf32, #tpu.memory_space<vmem>>
        %parallel_loop3A_425 = tpu.vector_load_idx %parallel_loop3A_424[%parallel_loop3A_345, %broadcast_in_dim3A_9] : memref<512x16xf32, #tpu.memory_space<vmem>>[vector<16xi32>, vector<16xi32>], vector<16xf32>,
        %parallel_loop3A_426 = arith.constant 0 : i32
        %parallel_loop3A_427 = arith.addi %parallel_loop3A_390, %parallel_loop3A_426 : i32
        %parallel_loop3A_428 = arith.constant 256 : i32
        %parallel_loop3A_429 = arith.addi %parallel_loop3A_427, %parallel_loop3A_428 : i32
        %parallel_loop3A_430 = tpu.assume_multiple %parallel_loop3A_429, 8 : i32
        %parallel_loop3A_431 = arith.constant 0 : i32
        %parallel_loop3A_432 = tpu.memref_slice %arg7[%parallel_loop3A_300, %parallel_loop3A_431] : memref<2x8192xf32, #tpu.memory_space<vmem>> -> memref<1x8192xf32, #tpu.memory_space<vmem>>
        %parallel_loop3A_433 = tpu.memref_squeeze %parallel_loop3A_432 : memref<1x8192xf32, #tpu.memory_space<vmem>> -> memref<8192xf32, #tpu.memory_space<vmem>>
        %parallel_loop3A_434 = arith.index_cast %parallel_loop3A_430 : i32 to index
        %parallel_loop3A_435 = tpu.vector_load %parallel_loop3A_433[%parallel_loop3A_434] {strides = array<i32>} : memref<8192xf32, #tpu.memory_space<vmem>>, vector<16xf32>,
        tpu.vector_store %parallel_loop3A_433[%parallel_loop3A_434], %parallel_loop3A_425 {strides = array<i32>} : memref<8192xf32, #tpu.memory_space<vmem>>, vector<16xf32>,
        %parallel_loop3A_436 = arith.constant 0 : i32
        %parallel_loop3A_437 = arith.constant 0 : i32
        %parallel_loop3A_438 = tpu.memref_slice %arg6[%parallel_loop3A_299, %parallel_loop3A_436, %parallel_loop3A_437] : memref<2x512x16xf32, #tpu.memory_space<vmem>> -> memref<1x512x16xf32, #tpu.memory_space<vmem>>
        %parallel_loop3A_439 = tpu.memref_squeeze %parallel_loop3A_438 : memref<1x512x16xf32, #tpu.memory_space<vmem>> -> memref<512x16xf32, #tpu.memory_space<vmem>>
        %parallel_loop3A_440 = tpu.vector_load_idx %parallel_loop3A_439[%parallel_loop3A_345, %broadcast_in_dim3A_11] : memref<512x16xf32, #tpu.memory_space<vmem>>[vector<16xi32>, vector<16xi32>], vector<16xf32>,
        %parallel_loop3A_441 = arith.constant 0 : i32
        %parallel_loop3A_442 = arith.addi %parallel_loop3A_390, %parallel_loop3A_441 : i32
        %parallel_loop3A_443 = arith.constant 384 : i32
        %parallel_loop3A_444 = arith.addi %parallel_loop3A_442, %parallel_loop3A_443 : i32
        %parallel_loop3A_445 = tpu.assume_multiple %parallel_loop3A_444, 8 : i32
        %parallel_loop3A_446 = arith.constant 0 : i32
        %parallel_loop3A_447 = tpu.memref_slice %arg7[%parallel_loop3A_300, %parallel_loop3A_446] : memref<2x8192xf32, #tpu.memory_space<vmem>> -> memref<1x8192xf32, #tpu.memory_space<vmem>>
        %parallel_loop3A_448 = tpu.memref_squeeze %parallel_loop3A_447 : memref<1x8192xf32, #tpu.memory_space<vmem>> -> memref<8192xf32, #tpu.memory_space<vmem>>
        %parallel_loop3A_449 = arith.index_cast %parallel_loop3A_445 : i32 to index
        %parallel_loop3A_450 = tpu.vector_load %parallel_loop3A_448[%parallel_loop3A_449] {strides = array<i32>} : memref<8192xf32, #tpu.memory_space<vmem>>, vector<16xf32>,
        tpu.vector_store %parallel_loop3A_448[%parallel_loop3A_449], %parallel_loop3A_440 {strides = array<i32>} : memref<8192xf32, #tpu.memory_space<vmem>>, vector<16xf32>,
        %parallel_loop3A_451 = arith.constant 0 : i32
        %parallel_loop3A_452 = arith.constant 0 : i32
        %parallel_loop3A_453 = tpu.memref_slice %arg6[%parallel_loop3A_299, %parallel_loop3A_451, %parallel_loop3A_452] : memref<2x512x16xf32, #tpu.memory_space<vmem>> -> memref<1x512x16xf32, #tpu.memory_space<vmem>>
        %parallel_loop3A_454 = tpu.memref_squeeze %parallel_loop3A_453 : memref<1x512x16xf32, #tpu.memory_space<vmem>> -> memref<512x16xf32, #tpu.memory_space<vmem>>
        %parallel_loop3A_455 = tpu.vector_load_idx %parallel_loop3A_454[%parallel_loop3A_345, %broadcast_in_dim3A_13] : memref<512x16xf32, #tpu.memory_space<vmem>>[vector<16xi32>, vector<16xi32>], vector<16xf32>,
        %parallel_loop3A_456 = arith.constant 0 : i32
        %parallel_loop3A_457 = arith.addi %parallel_loop3A_390, %parallel_loop3A_456 : i32
        %parallel_loop3A_458 = arith.constant 512 : i32
        %parallel_loop3A_459 = arith.addi %parallel_loop3A_457, %parallel_loop3A_458 : i32
        %parallel_loop3A_460 = tpu.assume_multiple %parallel_loop3A_459, 8 : i32
        %parallel_loop3A_461 = arith.constant 0 : i32
        %parallel_loop3A_462 = tpu.memref_slice %arg7[%parallel_loop3A_300, %parallel_loop3A_461] : memref<2x8192xf32, #tpu.memory_space<vmem>> -> memref<1x8192xf32, #tpu.memory_space<vmem>>
        %parallel_loop3A_463 = tpu.memref_squeeze %parallel_loop3A_462 : memref<1x8192xf32, #tpu.memory_space<vmem>> -> memref<8192xf32, #tpu.memory_space<vmem>>
        %parallel_loop3A_464 = arith.index_cast %parallel_loop3A_460 : i32 to index
        %parallel_loop3A_465 = tpu.vector_load %parallel_loop3A_463[%parallel_loop3A_464] {strides = array<i32>} : memref<8192xf32, #tpu.memory_space<vmem>>, vector<16xf32>,
        tpu.vector_store %parallel_loop3A_463[%parallel_loop3A_464], %parallel_loop3A_455 {strides = array<i32>} : memref<8192xf32, #tpu.memory_space<vmem>>, vector<16xf32>,
        %parallel_loop3A_466 = arith.constant 0 : i32
        %parallel_loop3A_467 = arith.constant 0 : i32
        %parallel_loop3A_468 = tpu.memref_slice %arg6[%parallel_loop3A_299, %parallel_loop3A_466, %parallel_loop3A_467] : memref<2x512x16xf32, #tpu.memory_space<vmem>> -> memref<1x512x16xf32, #tpu.memory_space<vmem>>
        %parallel_loop3A_469 = tpu.memref_squeeze %parallel_loop3A_468 : memref<1x512x16xf32, #tpu.memory_space<vmem>> -> memref<512x16xf32, #tpu.memory_space<vmem>>
        %parallel_loop3A_470 = tpu.vector_load_idx %parallel_loop3A_469[%parallel_loop3A_345, %broadcast_in_dim3A_15] : memref<512x16xf32, #tpu.memory_space<vmem>>[vector<16xi32>, vector<16xi32>], vector<16xf32>,
        %parallel_loop3A_471 = arith.constant 0 : i32
        %parallel_loop3A_472 = arith.addi %parallel_loop3A_390, %parallel_loop3A_471 : i32
        %parallel_loop3A_473 = arith.constant 640 : i32
        %parallel_loop3A_474 = arith.addi %parallel_loop3A_472, %parallel_loop3A_473 : i32
        %parallel_loop3A_475 = tpu.assume_multiple %parallel_loop3A_474, 8 : i32
        %parallel_loop3A_476 = arith.constant 0 : i32
        %parallel_loop3A_477 = tpu.memref_slice %arg7[%parallel_loop3A_300, %parallel_loop3A_476] : memref<2x8192xf32, #tpu.memory_space<vmem>> -> memref<1x8192xf32, #tpu.memory_space<vmem>>
        %parallel_loop3A_478 = tpu.memref_squeeze %parallel_loop3A_477 : memref<1x8192xf32, #tpu.memory_space<vmem>> -> memref<8192xf32, #tpu.memory_space<vmem>>
        %parallel_loop3A_479 = arith.index_cast %parallel_loop3A_475 : i32 to index
        %parallel_loop3A_480 = tpu.vector_load %parallel_loop3A_478[%parallel_loop3A_479] {strides = array<i32>} : memref<8192xf32, #tpu.memory_space<vmem>>, vector<16xf32>,
        tpu.vector_store %parallel_loop3A_478[%parallel_loop3A_479], %parallel_loop3A_470 {strides = array<i32>} : memref<8192xf32, #tpu.memory_space<vmem>>, vector<16xf32>,
        %parallel_loop3A_481 = arith.constant 0 : i32
        %parallel_loop3A_482 = arith.constant 0 : i32
        %parallel_loop3A_483 = tpu.memref_slice %arg6[%parallel_loop3A_299, %parallel_loop3A_481, %parallel_loop3A_482] : memref<2x512x16xf32, #tpu.memory_space<vmem>> -> memref<1x512x16xf32, #tpu.memory_space<vmem>>
        %parallel_loop3A_484 = tpu.memref_squeeze %parallel_loop3A_483 : memref<1x512x16xf32, #tpu.memory_space<vmem>> -> memref<512x16xf32, #tpu.memory_space<vmem>>
        %parallel_loop3A_485 = tpu.vector_load_idx %parallel_loop3A_484[%parallel_loop3A_345, %broadcast_in_dim3A_17] : memref<512x16xf32, #tpu.memory_space<vmem>>[vector<16xi32>, vector<16xi32>], vector<16xf32>,
        %parallel_loop3A_486 = arith.constant 0 : i32
        %parallel_loop3A_487 = arith.addi %parallel_loop3A_390, %parallel_loop3A_486 : i32
        %parallel_loop3A_488 = arith.constant 768 : i32
        %parallel_loop3A_489 = arith.addi %parallel_loop3A_487, %parallel_loop3A_488 : i32
        %parallel_loop3A_490 = tpu.assume_multiple %parallel_loop3A_489, 8 : i32
        %parallel_loop3A_491 = arith.constant 0 : i32
        %parallel_loop3A_492 = tpu.memref_slice %arg7[%parallel_loop3A_300, %parallel_loop3A_491] : memref<2x8192xf32, #tpu.memory_space<vmem>> -> memref<1x8192xf32, #tpu.memory_space<vmem>>
        %parallel_loop3A_493 = tpu.memref_squeeze %parallel_loop3A_492 : memref<1x8192xf32, #tpu.memory_space<vmem>> -> memref<8192xf32, #tpu.memory_space<vmem>>
        %parallel_loop3A_494 = arith.index_cast %parallel_loop3A_490 : i32 to index
        %parallel_loop3A_495 = tpu.vector_load %parallel_loop3A_493[%parallel_loop3A_494] {strides = array<i32>} : memref<8192xf32, #tpu.memory_space<vmem>>, vector<16xf32>,
        tpu.vector_store %parallel_loop3A_493[%parallel_loop3A_494], %parallel_loop3A_485 {strides = array<i32>} : memref<8192xf32, #tpu.memory_space<vmem>>, vector<16xf32>,
        %parallel_loop3A_496 = arith.constant 0 : i32
        %parallel_loop3A_497 = arith.constant 0 : i32
        %parallel_loop3A_498 = tpu.memref_slice %arg6[%parallel_loop3A_299, %parallel_loop3A_496, %parallel_loop3A_497] : memref<2x512x16xf32, #tpu.memory_space<vmem>> -> memref<1x512x16xf32, #tpu.memory_space<vmem>>
        %parallel_loop3A_499 = tpu.memref_squeeze %parallel_loop3A_498 : memref<1x512x16xf32, #tpu.memory_space<vmem>> -> memref<512x16xf32, #tpu.memory_space<vmem>>
        %parallel_loop3A_500 = tpu.vector_load_idx %parallel_loop3A_499[%parallel_loop3A_345, %broadcast_in_dim3A_19] : memref<512x16xf32, #tpu.memory_space<vmem>>[vector<16xi32>, vector<16xi32>], vector<16xf32>,
        %parallel_loop3A_501 = arith.constant 0 : i32
        %parallel_loop3A_502 = arith.addi %parallel_loop3A_390, %parallel_loop3A_501 : i32
        %parallel_loop3A_503 = arith.constant 896 : i32
        %parallel_loop3A_504 = arith.addi %parallel_loop3A_502, %parallel_loop3A_503 : i32
        %parallel_loop3A_505 = tpu.assume_multiple %parallel_loop3A_504, 8 : i32
        %parallel_loop3A_506 = arith.constant 0 : i32
        %parallel_loop3A_507 = tpu.memref_slice %arg7[%parallel_loop3A_300, %parallel_loop3A_506] : memref<2x8192xf32, #tpu.memory_space<vmem>> -> memref<1x8192xf32, #tpu.memory_space<vmem>>
        %parallel_loop3A_508 = tpu.memref_squeeze %parallel_loop3A_507 : memref<1x8192xf32, #tpu.memory_space<vmem>> -> memref<8192xf32, #tpu.memory_space<vmem>>
        %parallel_loop3A_509 = arith.index_cast %parallel_loop3A_505 : i32 to index
        %parallel_loop3A_510 = tpu.vector_load %parallel_loop3A_508[%parallel_loop3A_509] {strides = array<i32>} : memref<8192xf32, #tpu.memory_space<vmem>>, vector<16xf32>,
        tpu.vector_store %parallel_loop3A_508[%parallel_loop3A_509], %parallel_loop3A_500 {strides = array<i32>} : memref<8192xf32, #tpu.memory_space<vmem>>, vector<16xf32>,
        %parallel_loop3A_511 = arith.constant 0 : i32
        %parallel_loop3A_512 = arith.constant 0 : i32
        %parallel_loop3A_513 = tpu.memref_slice %arg6[%parallel_loop3A_299, %parallel_loop3A_511, %parallel_loop3A_512] : memref<2x512x16xf32, #tpu.memory_space<vmem>> -> memref<1x512x16xf32, #tpu.memory_space<vmem>>
        %parallel_loop3A_514 = tpu.memref_squeeze %parallel_loop3A_513 : memref<1x512x16xf32, #tpu.memory_space<vmem>> -> memref<512x16xf32, #tpu.memory_space<vmem>>
        %parallel_loop3A_515 = tpu.vector_load_idx %parallel_loop3A_514[%parallel_loop3A_345, %broadcast_in_dim3A_21] : memref<512x16xf32, #tpu.memory_space<vmem>>[vector<16xi32>, vector<16xi32>], vector<16xf32>,
        %parallel_loop3A_516 = arith.constant 4096 : i32
        %parallel_loop3A_517 = arith.addi %parallel_loop3A_390, %parallel_loop3A_516 : i32
        %parallel_loop3A_518 = arith.constant 0 : i32
        %parallel_loop3A_519 = arith.addi %parallel_loop3A_517, %parallel_loop3A_518 : i32
        %parallel_loop3A_520 = tpu.assume_multiple %parallel_loop3A_519, 8 : i32
        %parallel_loop3A_521 = arith.constant 0 : i32
        %parallel_loop3A_522 = tpu.memref_slice %arg7[%parallel_loop3A_300, %parallel_loop3A_521] : memref<2x8192xf32, #tpu.memory_space<vmem>> -> memref<1x8192xf32, #tpu.memory_space<vmem>>
        %parallel_loop3A_523 = tpu.memref_squeeze %parallel_loop3A_522 : memref<1x8192xf32, #tpu.memory_space<vmem>> -> memref<8192xf32, #tpu.memory_space<vmem>>
        %parallel_loop3A_524 = arith.index_cast %parallel_loop3A_520 : i32 to index
        %parallel_loop3A_525 = tpu.vector_load %parallel_loop3A_523[%parallel_loop3A_524] {strides = array<i32>} : memref<8192xf32, #tpu.memory_space<vmem>>, vector<16xf32>,
        tpu.vector_store %parallel_loop3A_523[%parallel_loop3A_524], %parallel_loop3A_515 {strides = array<i32>} : memref<8192xf32, #tpu.memory_space<vmem>>, vector<16xf32>,
        %parallel_loop3A_526 = arith.constant 0 : i32
        %parallel_loop3A_527 = arith.constant 0 : i32
        %parallel_loop3A_528 = tpu.memref_slice %arg6[%parallel_loop3A_299, %parallel_loop3A_526, %parallel_loop3A_527] : memref<2x512x16xf32, #tpu.memory_space<vmem>> -> memref<1x512x16xf32, #tpu.memory_space<vmem>>
        %parallel_loop3A_529 = tpu.memref_squeeze %parallel_loop3A_528 : memref<1x512x16xf32, #tpu.memory_space<vmem>> -> memref<512x16xf32, #tpu.memory_space<vmem>>
        %parallel_loop3A_530 = tpu.vector_load_idx %parallel_loop3A_529[%parallel_loop3A_345, %broadcast_in_dim3A_23] : memref<512x16xf32, #tpu.memory_space<vmem>>[vector<16xi32>, vector<16xi32>], vector<16xf32>,
        %parallel_loop3A_531 = arith.constant 4096 : i32
        %parallel_loop3A_532 = arith.addi %parallel_loop3A_390, %parallel_loop3A_531 : i32
        %parallel_loop3A_533 = arith.constant 128 : i32
        %parallel_loop3A_534 = arith.addi %parallel_loop3A_532, %parallel_loop3A_533 : i32
        %parallel_loop3A_535 = tpu.assume_multiple %parallel_loop3A_534, 8 : i32
        %parallel_loop3A_536 = arith.constant 0 : i32
        %parallel_loop3A_537 = tpu.memref_slice %arg7[%parallel_loop3A_300, %parallel_loop3A_536] : memref<2x8192xf32, #tpu.memory_space<vmem>> -> memref<1x8192xf32, #tpu.memory_space<vmem>>
        %parallel_loop3A_538 = tpu.memref_squeeze %parallel_loop3A_537 : memref<1x8192xf32, #tpu.memory_space<vmem>> -> memref<8192xf32, #tpu.memory_space<vmem>>
        %parallel_loop3A_539 = arith.index_cast %parallel_loop3A_535 : i32 to index
        %parallel_loop3A_540 = tpu.vector_load %parallel_loop3A_538[%parallel_loop3A_539] {strides = array<i32>} : memref<8192xf32, #tpu.memory_space<vmem>>, vector<16xf32>,
        tpu.vector_store %parallel_loop3A_538[%parallel_loop3A_539], %parallel_loop3A_530 {strides = array<i32>} : memref<8192xf32, #tpu.memory_space<vmem>>, vector<16xf32>,
        %parallel_loop3A_541 = arith.constant 0 : i32
        %parallel_loop3A_542 = arith.constant 0 : i32
        %parallel_loop3A_543 = tpu.memref_slice %arg6[%parallel_loop3A_299, %parallel_loop3A_541, %parallel_loop3A_542] : memref<2x512x16xf32, #tpu.memory_space<vmem>> -> memref<1x512x16xf32, #tpu.memory_space<vmem>>
        %parallel_loop3A_544 = tpu.memref_squeeze %parallel_loop3A_543 : memref<1x512x16xf32, #tpu.memory_space<vmem>> -> memref<512x16xf32, #tpu.memory_space<vmem>>
        %parallel_loop3A_545 = tpu.vector_load_idx %parallel_loop3A_544[%parallel_loop3A_345, %broadcast_in_dim3A_25] : memref<512x16xf32, #tpu.memory_space<vmem>>[vector<16xi32>, vector<16xi32>], vector<16xf32>,
        %parallel_loop3A_546 = arith.constant 4096 : i32
        %parallel_loop3A_547 = arith.addi %parallel_loop3A_390, %parallel_loop3A_546 : i32
        %parallel_loop3A_548 = arith.constant 256 : i32
        %parallel_loop3A_549 = arith.addi %parallel_loop3A_547, %parallel_loop3A_548 : i32
        %parallel_loop3A_550 = tpu.assume_multiple %parallel_loop3A_549, 8 : i32
        %parallel_loop3A_551 = arith.constant 0 : i32
        %parallel_loop3A_552 = tpu.memref_slice %arg7[%parallel_loop3A_300, %parallel_loop3A_551] : memref<2x8192xf32, #tpu.memory_space<vmem>> -> memref<1x8192xf32, #tpu.memory_space<vmem>>
        %parallel_loop3A_553 = tpu.memref_squeeze %parallel_loop3A_552 : memref<1x8192xf32, #tpu.memory_space<vmem>> -> memref<8192xf32, #tpu.memory_space<vmem>>
        %parallel_loop3A_554 = arith.index_cast %parallel_loop3A_550 : i32 to index
        %parallel_loop3A_555 = tpu.vector_load %parallel_loop3A_553[%parallel_loop3A_554] {strides = array<i32>} : memref<8192xf32, #tpu.memory_space<vmem>>, vector<16xf32>,
        tpu.vector_store %parallel_loop3A_553[%parallel_loop3A_554], %parallel_loop3A_545 {strides = array<i32>} : memref<8192xf32, #tpu.memory_space<vmem>>, vector<16xf32>,
        %parallel_loop3A_556 = arith.constant 0 : i32
        %parallel_loop3A_557 = arith.constant 0 : i32
        %parallel_loop3A_558 = tpu.memref_slice %arg6[%parallel_loop3A_299, %parallel_loop3A_556, %parallel_loop3A_557] : memref<2x512x16xf32, #tpu.memory_space<vmem>> -> memref<1x512x16xf32, #tpu.memory_space<vmem>>
        %parallel_loop3A_559 = tpu.memref_squeeze %parallel_loop3A_558 : memref<1x512x16xf32, #tpu.memory_space<vmem>> -> memref<512x16xf32, #tpu.memory_space<vmem>>
        %parallel_loop3A_560 = tpu.vector_load_idx %parallel_loop3A_559[%parallel_loop3A_345, %broadcast_in_dim3A_27] : memref<512x16xf32, #tpu.memory_space<vmem>>[vector<16xi32>, vector<16xi32>], vector<16xf32>,
        %parallel_loop3A_561 = arith.constant 4096 : i32
        %parallel_loop3A_562 = arith.addi %parallel_loop3A_390, %parallel_loop3A_561 : i32
        %parallel_loop3A_563 = arith.constant 384 : i32
        %parallel_loop3A_564 = arith.addi %parallel_loop3A_562, %parallel_loop3A_563 : i32
        %parallel_loop3A_565 = tpu.assume_multiple %parallel_loop3A_564, 8 : i32
        %parallel_loop3A_566 = arith.constant 0 : i32
        %parallel_loop3A_567 = tpu.memref_slice %arg7[%parallel_loop3A_300, %parallel_loop3A_566] : memref<2x8192xf32, #tpu.memory_space<vmem>> -> memref<1x8192xf32, #tpu.memory_space<vmem>>
        %parallel_loop3A_568 = tpu.memref_squeeze %parallel_loop3A_567 : memref<1x8192xf32, #tpu.memory_space<vmem>> -> memref<8192xf32, #tpu.memory_space<vmem>>
        %parallel_loop3A_569 = arith.index_cast %parallel_loop3A_565 : i32 to index
        %parallel_loop3A_570 = tpu.vector_load %parallel_loop3A_568[%parallel_loop3A_569] {strides = array<i32>} : memref<8192xf32, #tpu.memory_space<vmem>>, vector<16xf32>,
        tpu.vector_store %parallel_loop3A_568[%parallel_loop3A_569], %parallel_loop3A_560 {strides = array<i32>} : memref<8192xf32, #tpu.memory_space<vmem>>, vector<16xf32>,
        %parallel_loop3A_571 = arith.constant 0 : i32
        %parallel_loop3A_572 = arith.constant 0 : i32
        %parallel_loop3A_573 = tpu.memref_slice %arg6[%parallel_loop3A_299, %parallel_loop3A_571, %parallel_loop3A_572] : memref<2x512x16xf32, #tpu.memory_space<vmem>> -> memref<1x512x16xf32, #tpu.memory_space<vmem>>
        %parallel_loop3A_574 = tpu.memref_squeeze %parallel_loop3A_573 : memref<1x512x16xf32, #tpu.memory_space<vmem>> -> memref<512x16xf32, #tpu.memory_space<vmem>>
        %parallel_loop3A_575 = tpu.vector_load_idx %parallel_loop3A_574[%parallel_loop3A_345, %broadcast_in_dim3A_29] : memref<512x16xf32, #tpu.memory_space<vmem>>[vector<16xi32>, vector<16xi32>], vector<16xf32>,
        %parallel_loop3A_576 = arith.constant 4096 : i32
        %parallel_loop3A_577 = arith.addi %parallel_loop3A_390, %parallel_loop3A_576 : i32
        %parallel_loop3A_578 = arith.constant 512 : i32
        %parallel_loop3A_579 = arith.addi %parallel_loop3A_577, %parallel_loop3A_578 : i32
        %parallel_loop3A_580 = tpu.assume_multiple %parallel_loop3A_579, 8 : i32
        %parallel_loop3A_581 = arith.constant 0 : i32
        %parallel_loop3A_582 = tpu.memref_slice %arg7[%parallel_loop3A_300, %parallel_loop3A_581] : memref<2x8192xf32, #tpu.memory_space<vmem>> -> memref<1x8192xf32, #tpu.memory_space<vmem>>
        %parallel_loop3A_583 = tpu.memref_squeeze %parallel_loop3A_582 : memref<1x8192xf32, #tpu.memory_space<vmem>> -> memref<8192xf32, #tpu.memory_space<vmem>>
        %parallel_loop3A_584 = arith.index_cast %parallel_loop3A_580 : i32 to index
        %parallel_loop3A_585 = tpu.vector_load %parallel_loop3A_583[%parallel_loop3A_584] {strides = array<i32>} : memref<8192xf32, #tpu.memory_space<vmem>>, vector<16xf32>,
        tpu.vector_store %parallel_loop3A_583[%parallel_loop3A_584], %parallel_loop3A_575 {strides = array<i32>} : memref<8192xf32, #tpu.memory_space<vmem>>, vector<16xf32>,
        %parallel_loop3A_586 = arith.constant 0 : i32
        %parallel_loop3A_587 = arith.constant 0 : i32
        %parallel_loop3A_588 = tpu.memref_slice %arg6[%parallel_loop3A_299, %parallel_loop3A_586, %parallel_loop3A_587] : memref<2x512x16xf32, #tpu.memory_space<vmem>> -> memref<1x512x16xf32, #tpu.memory_space<vmem>>
        %parallel_loop3A_589 = tpu.memref_squeeze %parallel_loop3A_588 : memref<1x512x16xf32, #tpu.memory_space<vmem>> -> memref<512x16xf32, #tpu.memory_space<vmem>>
        %parallel_loop3A_590 = tpu.vector_load_idx %parallel_loop3A_589[%parallel_loop3A_345, %broadcast_in_dim3A_31] : memref<512x16xf32, #tpu.memory_space<vmem>>[vector<16xi32>, vector<16xi32>], vector<16xf32>,
        %parallel_loop3A_591 = arith.constant 4096 : i32
        %parallel_loop3A_592 = arith.addi %parallel_loop3A_390, %parallel_loop3A_591 : i32
        %parallel_loop3A_593 = arith.constant 640 : i32
        %parallel_loop3A_594 = arith.addi %parallel_loop3A_592, %parallel_loop3A_593 : i32
        %parallel_loop3A_595 = tpu.assume_multiple %parallel_loop3A_594, 8 : i32
        %parallel_loop3A_596 = arith.constant 0 : i32
        %parallel_loop3A_597 = tpu.memref_slice %arg7[%parallel_loop3A_300, %parallel_loop3A_596] : memref<2x8192xf32, #tpu.memory_space<vmem>> -> memref<1x8192xf32, #tpu.memory_space<vmem>>
        %parallel_loop3A_598 = tpu.memref_squeeze %parallel_loop3A_597 : memref<1x8192xf32, #tpu.memory_space<vmem>> -> memref<8192xf32, #tpu.memory_space<vmem>>
        %parallel_loop3A_599 = arith.index_cast %parallel_loop3A_595 : i32 to index
        %parallel_loop3A_600 = tpu.vector_load %parallel_loop3A_598[%parallel_loop3A_599] {strides = array<i32>} : memref<8192xf32, #tpu.memory_space<vmem>>, vector<16xf32>,
        tpu.vector_store %parallel_loop3A_598[%parallel_loop3A_599], %parallel_loop3A_590 {strides = array<i32>} : memref<8192xf32, #tpu.memory_space<vmem>>, vector<16xf32>,
        %parallel_loop3A_601 = arith.constant 0 : i32
        %parallel_loop3A_602 = arith.constant 0 : i32
        %parallel_loop3A_603 = tpu.memref_slice %arg6[%parallel_loop3A_299, %parallel_loop3A_601, %parallel_loop3A_602] : memref<2x512x16xf32, #tpu.memory_space<vmem>> -> memref<1x512x16xf32, #tpu.memory_space<vmem>>
        %parallel_loop3A_604 = tpu.memref_squeeze %parallel_loop3A_603 : memref<1x512x16xf32, #tpu.memory_space<vmem>> -> memref<512x16xf32, #tpu.memory_space<vmem>>
        %parallel_loop3A_605 = tpu.vector_load_idx %parallel_loop3A_604[%parallel_loop3A_345, %broadcast_in_dim3A_33] : memref<512x16xf32, #tpu.memory_space<vmem>>[vector<16xi32>, vector<16xi32>], vector<16xf32>,
        %parallel_loop3A_606 = arith.constant 4096 : i32
        %parallel_loop3A_607 = arith.addi %parallel_loop3A_390, %parallel_loop3A_606 : i32
        %parallel_loop3A_608 = arith.constant 768 : i32
        %parallel_loop3A_609 = arith.addi %parallel_loop3A_607, %parallel_loop3A_608 : i32
        %parallel_loop3A_610 = tpu.assume_multiple %parallel_loop3A_609, 8 : i32
        %parallel_loop3A_611 = arith.constant 0 : i32
        %parallel_loop3A_612 = tpu.memref_slice %arg7[%parallel_loop3A_300, %parallel_loop3A_611] : memref<2x8192xf32, #tpu.memory_space<vmem>> -> memref<1x8192xf32, #tpu.memory_space<vmem>>
        %parallel_loop3A_613 = tpu.memref_squeeze %parallel_loop3A_612 : memref<1x8192xf32, #tpu.memory_space<vmem>> -> memref<8192xf32, #tpu.memory_space<vmem>>
        %parallel_loop3A_614 = arith.index_cast %parallel_loop3A_610 : i32 to index
        %parallel_loop3A_615 = tpu.vector_load %parallel_loop3A_613[%parallel_loop3A_614] {strides = array<i32>} : memref<8192xf32, #tpu.memory_space<vmem>>, vector<16xf32>,
        tpu.vector_store %parallel_loop3A_613[%parallel_loop3A_614], %parallel_loop3A_605 {strides = array<i32>} : memref<8192xf32, #tpu.memory_space<vmem>>, vector<16xf32>,
        %parallel_loop3A_616 = arith.constant 0 : i32
        %parallel_loop3A_617 = arith.constant 0 : i32
        %parallel_loop3A_618 = tpu.memref_slice %arg6[%parallel_loop3A_299, %parallel_loop3A_616, %parallel_loop3A_617] : memref<2x512x16xf32, #tpu.memory_space<vmem>> -> memref<1x512x16xf32, #tpu.memory_space<vmem>>
        %parallel_loop3A_619 = tpu.memref_squeeze %parallel_loop3A_618 : memref<1x512x16xf32, #tpu.memory_space<vmem>> -> memref<512x16xf32, #tpu.memory_space<vmem>>
        %parallel_loop3A_620 = tpu.vector_load_idx %parallel_loop3A_619[%parallel_loop3A_345, %broadcast_in_dim3A_35] : memref<512x16xf32, #tpu.memory_space<vmem>>[vector<16xi32>, vector<16xi32>], vector<16xf32>,
        %parallel_loop3A_621 = arith.constant 4096 : i32
        %parallel_loop3A_622 = arith.addi %parallel_loop3A_390, %parallel_loop3A_621 : i32
        %parallel_loop3A_623 = arith.constant 896 : i32
        %parallel_loop3A_624 = arith.addi %parallel_loop3A_622, %parallel_loop3A_623 : i32
        %parallel_loop3A_625 = tpu.assume_multiple %parallel_loop3A_624, 8 : i32
        %parallel_loop3A_626 = arith.constant 0 : i32
        %parallel_loop3A_627 = tpu.memref_slice %arg7[%parallel_loop3A_300, %parallel_loop3A_626] : memref<2x8192xf32, #tpu.memory_space<vmem>> -> memref<1x8192xf32, #tpu.memory_space<vmem>>
        %parallel_loop3A_628 = tpu.memref_squeeze %parallel_loop3A_627 : memref<1x8192xf32, #tpu.memory_space<vmem>> -> memref<8192xf32, #tpu.memory_space<vmem>>
        %parallel_loop3A_629 = arith.index_cast %parallel_loop3A_625 : i32 to index
        %parallel_loop3A_630 = tpu.vector_load %parallel_loop3A_628[%parallel_loop3A_629] {strides = array<i32>} : memref<8192xf32, #tpu.memory_space<vmem>>, vector<16xf32>,
        tpu.vector_store %parallel_loop3A_628[%parallel_loop3A_629], %parallel_loop3A_620 {strides = array<i32>} : memref<8192xf32, #tpu.memory_space<vmem>>, vector<16xf32>,
      } {sc.loop_unroll_factor = 2 : i64, sc.parallel_access}
      %mul3A_301 = arith.constant 1024 : i32
      %mul3A_302 = arith.muli %mul3A_4, %mul3A_301 : i32
      %add3A_303 = arith.constant 0 : i32
      %add3A_304 = arith.addi %add3A_303, %mul3A_302 : i32
      %multiple_of3A_305 = tpu.assume_multiple %add3A_304, 8 : i32
      %mul3A_306 = arith.constant 1024 : i32
      %mul3A_307 = arith.muli %mul3A_4, %mul3A_306 : i32
      %add3A_308 = arith.constant 131072 : i32
      %add3A_309 = arith.addi %add3A_308, %mul3A_307 : i32
      %multiple_of3A_310 = tpu.assume_multiple %add3A_309, 8 : i32
      %dma_start3A_311 = arith.constant 1 : i32
      %dma_start3A_312 = arith.constant 0 : i32
      %dma_start3A_313 = tpu.memref_slice %arg7[%dma_start3A_311, %dma_start3A_312] : memref<2x8192xf32, #tpu.memory_space<vmem>> -> memref<1x8192xf32, #tpu.memory_space<vmem>>
      %dma_start3A_314 = tpu.memref_squeeze %dma_start3A_313 : memref<1x8192xf32, #tpu.memory_space<vmem>> -> memref<8192xf32, #tpu.memory_space<vmem>>
      %dma_start3A_315 = arith.constant 0 : i32
      %dma_start3A_316 = tpu.memref_slice %dma_start3A_314[%dma_start3A_315] : memref<8192xf32, #tpu.memory_space<vmem>> -> memref<4096xf32, #tpu.memory_space<vmem>>
      %dma_start3A_317 = tpu.memref_slice %arg4[%add3A_259, %multiple_of3A_305] : memref<200x262144xf32, #tpu.memory_space<hbm>> -> memref<1x4096xf32, #tpu.memory_space<hbm>>
      %dma_start3A_318 = tpu.memref_squeeze %dma_start3A_317 : memref<1x4096xf32, #tpu.memory_space<hbm>> -> memref<4096xf32, #tpu.memory_space<hbm>>
      %dma_start3A_319 = tpu.memref_slice %arg4[%add3A_259, %multiple_of3A_305] : memref<200x262144xf32, #tpu.memory_space<hbm>> -> memref<1x4096xf32, #tpu.memory_space<hbm>>
      %dma_start3A_320 = tpu.memref_squeeze %dma_start3A_319 : memref<1x4096xf32, #tpu.memory_space<hbm>> -> memref<4096xf32, #tpu.memory_space<hbm>>
      %dma_start3A_321 = arith.constant 0 : i32
      %dma_start3A_322 = tpu.memref_slice %arg7[%dma_start3A_311, %dma_start3A_321] : memref<2x8192xf32, #tpu.memory_space<vmem>> -> memref<1x8192xf32, #tpu.memory_space<vmem>>
      %dma_start3A_323 = tpu.memref_squeeze %dma_start3A_322 : memref<1x8192xf32, #tpu.memory_space<vmem>> -> memref<8192xf32, #tpu.memory_space<vmem>>
      %dma_start3A_324 = arith.constant 0 : i32
      %dma_start3A_325 = tpu.memref_slice %dma_start3A_323[%dma_start3A_324] : memref<8192xf32, #tpu.memory_space<vmem>> -> memref<4096xf32, #tpu.memory_space<vmem>>
      tpu.enqueue_dma source(%dma_start3A_325 : memref<4096xf32, #tpu.memory_space<vmem>>) target(%dma_start3A_320 : memref<4096xf32, #tpu.memory_space<hbm>>) target_semaphore(%arg12 : memref<!tpu.dma_semaphore, #tpu.memory_space<semaphore_mem>>)
      %dma_start3A_326 = arith.constant 1 : i32
      %dma_start3A_327 = arith.constant 0 : i32
      %dma_start3A_328 = tpu.memref_slice %arg7[%dma_start3A_326, %dma_start3A_327] : memref<2x8192xf32, #tpu.memory_space<vmem>> -> memref<1x8192xf32, #tpu.memory_space<vmem>>
      %dma_start3A_329 = tpu.memref_squeeze %dma_start3A_328 : memref<1x8192xf32, #tpu.memory_space<vmem>> -> memref<8192xf32, #tpu.memory_space<vmem>>
      %dma_start3A_330 = arith.constant 4096 : i32
      %dma_start3A_331 = tpu.memref_slice %dma_start3A_329[%dma_start3A_330] : memref<8192xf32, #tpu.memory_space<vmem>> -> memref<4096xf32, #tpu.memory_space<vmem>>
      %dma_start3A_332 = tpu.memref_slice %arg4[%add3A_259, %multiple_of3A_310] : memref<200x262144xf32, #tpu.memory_space<hbm>> -> memref<1x4096xf32, #tpu.memory_space<hbm>>
      %dma_start3A_333 = tpu.memref_squeeze %dma_start3A_332 : memref<1x4096xf32, #tpu.memory_space<hbm>> -> memref<4096xf32, #tpu.memory_space<hbm>>
      %dma_start3A_334 = tpu.memref_slice %arg4[%add3A_259, %multiple_of3A_310] : memref<200x262144xf32, #tpu.memory_space<hbm>> -> memref<1x4096xf32, #tpu.memory_space<hbm>>
      %dma_start3A_335 = tpu.memref_squeeze %dma_start3A_334 : memref<1x4096xf32, #tpu.memory_space<hbm>> -> memref<4096xf32, #tpu.memory_space<hbm>>
      %dma_start3A_336 = arith.constant 0 : i32
      %dma_start3A_337 = tpu.memref_slice %arg7[%dma_start3A_326, %dma_start3A_336] : memref<2x8192xf32, #tpu.memory_space<vmem>> -> memref<1x8192xf32, #tpu.memory_space<vmem>>
      %dma_start3A_338 = tpu.memref_squeeze %dma_start3A_337 : memref<1x8192xf32, #tpu.memory_space<vmem>> -> memref<8192xf32, #tpu.memory_space<vmem>>
      %dma_start3A_339 = arith.constant 4096 : i32
      %dma_start3A_340 = tpu.memref_slice %dma_start3A_338[%dma_start3A_339] : memref<8192xf32, #tpu.memory_space<vmem>> -> memref<4096xf32, #tpu.memory_space<vmem>>
      tpu.enqueue_dma source(%dma_start3A_340 : memref<4096xf32, #tpu.memory_space<vmem>>) target(%dma_start3A_335 : memref<4096xf32, #tpu.memory_space<hbm>>) target_semaphore(%arg12 : memref<!tpu.dma_semaphore, #tpu.memory_space<semaphore_mem>>)
    }
    %scan3A_90 = arith.constant 100 : i32
    %mul3A_91 = arith.constant 1024 : i32
    %mul3A_92 = arith.muli %mul3A_4, %mul3A_91 : i32
    %add3A_93 = arith.constant 0 : i32
    %add3A_94 = arith.addi %add3A_93, %mul3A_92 : i32
    %multiple_of3A_95 = tpu.assume_multiple %add3A_94, 8 : i32
    %mul3A_96 = arith.constant 1024 : i32
    %mul3A_97 = arith.muli %mul3A_4, %mul3A_96 : i32
    %add3A_98 = arith.constant 131072 : i32
    %add3A_99 = arith.addi %add3A_98, %mul3A_97 : i32
    %multiple_of3A_100 = tpu.assume_multiple %add3A_99, 8 : i32
    %dma_wait3A_101 = arith.constant 0 : i32
    %dma_wait3A_102 = arith.constant 0 : i32
    %dma_wait3A_103 = arith.constant 0 : i32
    %dma_wait3A_104 = tpu.memref_slice %arg7[%dma_wait3A_101, %dma_wait3A_103] : memref<2x8192xf32, #tpu.memory_space<vmem>> -> memref<1x8192xf32, #tpu.memory_space<vmem>>
    %dma_wait3A_105 = tpu.memref_squeeze %dma_wait3A_104 : memref<1x8192xf32, #tpu.memory_space<vmem>> -> memref<8192xf32, #tpu.memory_space<vmem>>
    %dma_wait3A_106 = arith.constant 0 : i32
    %dma_wait3A_107 = tpu.memref_slice %dma_wait3A_105[%dma_wait3A_106] : memref<8192xf32, #tpu.memory_space<vmem>> -> memref<4096xf32, #tpu.memory_space<vmem>>
    %dma_wait3A_108 = tpu.memref_slice %arg4[%dma_wait3A_102, %multiple_of3A_95] : memref<200x262144xf32, #tpu.memory_space<hbm>> -> memref<1x4096xf32, #tpu.memory_space<hbm>>
    %dma_wait3A_109 = tpu.memref_squeeze %dma_wait3A_108 : memref<1x4096xf32, #tpu.memory_space<hbm>> -> memref<4096xf32, #tpu.memory_space<hbm>>
    %dma_wait3A_110 = tpu.memref_slice %arg4[%dma_wait3A_102, %multiple_of3A_95] : memref<200x262144xf32, #tpu.memory_space<hbm>> -> memref<1x4096xf32, #tpu.memory_space<hbm>>
    %dma_wait3A_111 = tpu.memref_squeeze %dma_wait3A_110 : memref<1x4096xf32, #tpu.memory_space<hbm>> -> memref<4096xf32, #tpu.memory_space<hbm>>
    %dma_wait3A_112 = arith.constant 0 : i32
    %dma_wait3A_113 = tpu.memref_slice %arg7[%dma_wait3A_101, %dma_wait3A_112] : memref<2x8192xf32, #tpu.memory_space<vmem>> -> memref<1x8192xf32, #tpu.memory_space<vmem>>
    %dma_wait3A_114 = tpu.memref_squeeze %dma_wait3A_113 : memref<1x8192xf32, #tpu.memory_space<vmem>> -> memref<8192xf32, #tpu.memory_space<vmem>>
    %dma_wait3A_115 = arith.constant 0 : i32
    %dma_wait3A_116 = tpu.memref_slice %dma_wait3A_114[%dma_wait3A_115] : memref<8192xf32, #tpu.memory_space<vmem>> -> memref<4096xf32, #tpu.memory_space<vmem>>
    tpu.wait_dma2 semaphore(%arg11 : memref<!tpu.dma_semaphore, #tpu.memory_space<semaphore_mem>>) src(%dma_wait3A_116 : memref<4096xf32, #tpu.memory_space<vmem>>) dst(%dma_wait3A_111 : memref<4096xf32, #tpu.memory_space<hbm>>)
    %dma_wait3A_117 = arith.constant 0 : i32
    %dma_wait3A_118 = arith.constant 0 : i32
    %dma_wait3A_119 = arith.constant 0 : i32
    %dma_wait3A_120 = tpu.memref_slice %arg7[%dma_wait3A_117, %dma_wait3A_119] : memref<2x8192xf32, #tpu.memory_space<vmem>> -> memref<1x8192xf32, #tpu.memory_space<vmem>>
    %dma_wait3A_121 = tpu.memref_squeeze %dma_wait3A_120 : memref<1x8192xf32, #tpu.memory_space<vmem>> -> memref<8192xf32, #tpu.memory_space<vmem>>
    %dma_wait3A_122 = arith.constant 4096 : i32
    %dma_wait3A_123 = tpu.memref_slice %dma_wait3A_121[%dma_wait3A_122] : memref<8192xf32, #tpu.memory_space<vmem>> -> memref<4096xf32, #tpu.memory_space<vmem>>
    %dma_wait3A_124 = tpu.memref_slice %arg4[%dma_wait3A_118, %multiple_of3A_100] : memref<200x262144xf32, #tpu.memory_space<hbm>> -> memref<1x4096xf32, #tpu.memory_space<hbm>>
    %dma_wait3A_125 = tpu.memref_squeeze %dma_wait3A_124 : memref<1x4096xf32, #tpu.memory_space<hbm>> -> memref<4096xf32, #tpu.memory_space<hbm>>
    %dma_wait3A_126 = tpu.memref_slice %arg4[%dma_wait3A_118, %multiple_of3A_100] : memref<200x262144xf32, #tpu.memory_space<hbm>> -> memref<1x4096xf32, #tpu.memory_space<hbm>>
    %dma_wait3A_127 = tpu.memref_squeeze %dma_wait3A_126 : memref<1x4096xf32, #tpu.memory_space<hbm>> -> memref<4096xf32, #tpu.memory_space<hbm>>
    %dma_wait3A_128 = arith.constant 0 : i32
    %dma_wait3A_129 = tpu.memref_slice %arg7[%dma_wait3A_117, %dma_wait3A_128] : memref<2x8192xf32, #tpu.memory_space<vmem>> -> memref<1x8192xf32, #tpu.memory_space<vmem>>
    %dma_wait3A_130 = tpu.memref_squeeze %dma_wait3A_129 : memref<1x8192xf32, #tpu.memory_space<vmem>> -> memref<8192xf32, #tpu.memory_space<vmem>>
    %dma_wait3A_131 = arith.constant 4096 : i32
    %dma_wait3A_132 = tpu.memref_slice %dma_wait3A_130[%dma_wait3A_131] : memref<8192xf32, #tpu.memory_space<vmem>> -> memref<4096xf32, #tpu.memory_space<vmem>>
    tpu.wait_dma2 semaphore(%arg11 : memref<!tpu.dma_semaphore, #tpu.memory_space<semaphore_mem>>) src(%dma_wait3A_132 : memref<4096xf32, #tpu.memory_space<vmem>>) dst(%dma_wait3A_127 : memref<4096xf32, #tpu.memory_space<hbm>>)
    %mul3A_133 = arith.constant 1024 : i32
    %mul3A_134 = arith.muli %mul3A_4, %mul3A_133 : i32
    %add3A_135 = arith.constant 0 : i32
    %add3A_136 = arith.addi %add3A_135, %mul3A_134 : i32
    %multiple_of3A_137 = tpu.assume_multiple %add3A_136, 8 : i32
    %mul3A_138 = arith.constant 1024 : i32
    %mul3A_139 = arith.muli %mul3A_4, %mul3A_138 : i32
    %add3A_140 = arith.constant 131072 : i32
    %add3A_141 = arith.addi %add3A_140, %mul3A_139 : i32
    %multiple_of3A_142 = tpu.assume_multiple %add3A_141, 8 : i32
    %dma_wait3A_143 = arith.constant 1 : i32
    %dma_wait3A_144 = arith.constant 0 : i32
    %dma_wait3A_145 = arith.constant 0 : i32
    %dma_wait3A_146 = tpu.memref_slice %arg7[%dma_wait3A_143, %dma_wait3A_145] : memref<2x8192xf32, #tpu.memory_space<vmem>> -> memref<1x8192xf32, #tpu.memory_space<vmem>>
    %dma_wait3A_147 = tpu.memref_squeeze %dma_wait3A_146 : memref<1x8192xf32, #tpu.memory_space<vmem>> -> memref<8192xf32, #tpu.memory_space<vmem>>
    %dma_wait3A_148 = arith.constant 0 : i32
    %dma_wait3A_149 = tpu.memref_slice %dma_wait3A_147[%dma_wait3A_148] : memref<8192xf32, #tpu.memory_space<vmem>> -> memref<4096xf32, #tpu.memory_space<vmem>>
    %dma_wait3A_150 = tpu.memref_slice %arg4[%dma_wait3A_144, %multiple_of3A_137] : memref<200x262144xf32, #tpu.memory_space<hbm>> -> memref<1x4096xf32, #tpu.memory_space<hbm>>
    %dma_wait3A_151 = tpu.memref_squeeze %dma_wait3A_150 : memref<1x4096xf32, #tpu.memory_space<hbm>> -> memref<4096xf32, #tpu.memory_space<hbm>>
    %dma_wait3A_152 = tpu.memref_slice %arg4[%dma_wait3A_144, %multiple_of3A_137] : memref<200x262144xf32, #tpu.memory_space<hbm>> -> memref<1x4096xf32, #tpu.memory_space<hbm>>
    %dma_wait3A_153 = tpu.memref_squeeze %dma_wait3A_152 : memref<1x4096xf32, #tpu.memory_space<hbm>> -> memref<4096xf32, #tpu.memory_space<hbm>>
    %dma_wait3A_154 = arith.constant 0 : i32
    %dma_wait3A_155 = tpu.memref_slice %arg7[%dma_wait3A_143, %dma_wait3A_154] : memref<2x8192xf32, #tpu.memory_space<vmem>> -> memref<1x8192xf32, #tpu.memory_space<vmem>>
    %dma_wait3A_156 = tpu.memref_squeeze %dma_wait3A_155 : memref<1x8192xf32, #tpu.memory_space<vmem>> -> memref<8192xf32, #tpu.memory_space<vmem>>
    %dma_wait3A_157 = arith.constant 0 : i32
    %dma_wait3A_158 = tpu.memref_slice %dma_wait3A_156[%dma_wait3A_157] : memref<8192xf32, #tpu.memory_space<vmem>> -> memref<4096xf32, #tpu.memory_space<vmem>>
    tpu.wait_dma2 semaphore(%arg12 : memref<!tpu.dma_semaphore, #tpu.memory_space<semaphore_mem>>) src(%dma_wait3A_158 : memref<4096xf32, #tpu.memory_space<vmem>>) dst(%dma_wait3A_153 : memref<4096xf32, #tpu.memory_space<hbm>>)
    %dma_wait3A_159 = arith.constant 1 : i32
    %dma_wait3A_160 = arith.constant 0 : i32
    %dma_wait3A_161 = arith.constant 0 : i32
    %dma_wait3A_162 = tpu.memref_slice %arg7[%dma_wait3A_159, %dma_wait3A_161] : memref<2x8192xf32, #tpu.memory_space<vmem>> -> memref<1x8192xf32, #tpu.memory_space<vmem>>
    %dma_wait3A_163 = tpu.memref_squeeze %dma_wait3A_162 : memref<1x8192xf32, #tpu.memory_space<vmem>> -> memref<8192xf32, #tpu.memory_space<vmem>>
    %dma_wait3A_164 = arith.constant 4096 : i32
    %dma_wait3A_165 = tpu.memref_slice %dma_wait3A_163[%dma_wait3A_164] : memref<8192xf32, #tpu.memory_space<vmem>> -> memref<4096xf32, #tpu.memory_space<vmem>>
    %dma_wait3A_166 = tpu.memref_slice %arg4[%dma_wait3A_160, %multiple_of3A_142] : memref<200x262144xf32, #tpu.memory_space<hbm>> -> memref<1x4096xf32, #tpu.memory_space<hbm>>
    %dma_wait3A_167 = tpu.memref_squeeze %dma_wait3A_166 : memref<1x4096xf32, #tpu.memory_space<hbm>> -> memref<4096xf32, #tpu.memory_space<hbm>>
    %dma_wait3A_168 = tpu.memref_slice %arg4[%dma_wait3A_160, %multiple_of3A_142] : memref<200x262144xf32, #tpu.memory_space<hbm>> -> memref<1x4096xf32, #tpu.memory_space<hbm>>
    %dma_wait3A_169 = tpu.memref_squeeze %dma_wait3A_168 : memref<1x4096xf32, #tpu.memory_space<hbm>> -> memref<4096xf32, #tpu.memory_space<hbm>>
    %dma_wait3A_170 = arith.constant 0 : i32
    %dma_wait3A_171 = tpu.memref_slice %arg7[%dma_wait3A_159, %dma_wait3A_170] : memref<2x8192xf32, #tpu.memory_space<vmem>> -> memref<1x8192xf32, #tpu.memory_space<vmem>>
    %dma_wait3A_172 = tpu.memref_squeeze %dma_wait3A_171 : memref<1x8192xf32, #tpu.memory_space<vmem>> -> memref<8192xf32, #tpu.memory_space<vmem>>
    %dma_wait3A_173 = arith.constant 4096 : i32
    %dma_wait3A_174 = tpu.memref_slice %dma_wait3A_172[%dma_wait3A_173] : memref<8192xf32, #tpu.memory_space<vmem>> -> memref<4096xf32, #tpu.memory_space<vmem>>
    tpu.wait_dma2 semaphore(%arg12 : memref<!tpu.dma_semaphore, #tpu.memory_space<semaphore_mem>>) src(%dma_wait3A_174 : memref<4096xf32, #tpu.memory_space<vmem>>) dst(%dma_wait3A_169 : memref<4096xf32, #tpu.memory_space<hbm>>)
    return
  }
}

</mosaic_0001>

<sc_bundles>
// kernel: kernel.3.cloned.1.call-start
scs
__scs_entry_jumppad:
0x0: {  	(pc) =	sbr.rel $0x88, $3  }
0x1: {  	(tag) =	ssettag $0x0;
	lr =	simm.s32 $0x1  }
0x2: {  	[smem:$0x3F9F] =	sst lr;
	_ =	strace $0xD0000000  }
0x3: {  	_ = 	snop  }
0x4: {  	_ = 	snop  }
0x5: {  	_ = 	snop  }
0x6: {  	_ = 	snop  }
0x7: {  	_ = 	snop  }
__scs_overlays_trampoline_lowered:
0x8: {  	[smem:$0x3FAE] =	sst s0  }
0x9: {  	[smem:$0x3FAF] =	sst s1  }
0xa: {  	[smem:$0x3FB0] =	sst s2  }
0xb: {  	[smem:$0x3FB1] =	sst s3  }
0xc: {  	[smem:$0x3FB2] =	sst s4  }
0xd: {  	[smem:$0x3FB3] =	sst s5  }
0xe: {  	[smem:$0x3FB4] =	sst s6  }
0xf: {  	[smem:$0x3FB5] =	sst s7  }
0x10: {  	[smem:$0x3FB6] =	sst s8  }
0x11: {  	[smem:$0x3FB7] =	sst s9;
	s0 =	simm.s32 @!p0 $0x0  }
0x12: {  	s1 =	sld [smem:$0x3F9D];
	s0 =	simm.s32 @p0 $0x1  }
0x13: {  	[smem:$0x3FB8] =	sst s0;
	s0 =	simm.s32 @!p1 $0x0  }
0x14: {  	s2 =	sld [smem:$0x3F9C];
	s0 =	simm.s32 @p1 $0x1  }
0x15: {  	[smem:$0x3FB9] =	sst s0;
	s0 =	simm.s32 @!p2 $0x0  }
0x16: {  	s3 =	sld [smem:$0x3FDB];
	s0 =	simm.s32 @p2 $0x1  }
0x17: {  	s4 =	simm.s32 $0x1BF5;
	[smem:$0x3FBB] =	sst s0  }
0x18: {  	s0 =	sld [smem:$0x3F9E];
	_ =	swait.ge [sflag:s4], $0x0  }
0x19: {  	s7 =	sld [smem:$0x3F9F]  }
0x1a: {  	s8 =	sadd.s32 $0xFFFFE003, lr  }
0x1b: {  	s9 =	sadd.s32 $0xFFFFFEF7, lr;
	s5 =	simm.s32 $0xFFFFFFFF;
	p2 =	slt.u32 s8, $0xFFFFF086  }
0x1c: {  	p1 =	slt.u32 s9, $0xF7A;
	s5 =	simm.s32 @!p2 $0x0  }
0x1d: {  	s5 =	simm.s32 @p1 $0x1;
	p0 =	seq.s32 s7, s2  }
0x1e: {  	s7 =	smul.u32 @!p0 $0xF7A, s2;
	p2 =	seq.s32 @!p0 s5, $0x0  }
0x1f: {  	s9 =	smul.u32 $0xF7A, s1;
	s8 =	simm.s32 @!p0 $0x1BF5;
	p2 =	por !p2, p0  }
0x20: {  	[sflag:s8] =	ssyncset.s32 @!p0 $0xFFFFF086;
	s6 =	sadd.s32 @!p0 s3, s7;
	s7 =	simm.s32 @!p0 $0x108  }
0x21: {  	s3 =	sadd.s32 s3, s9;
	s6 =	sadd.s32 @!p0 $0x88, s6;
	s7 =	simm.s32 @p2 $0x1082  }
0x22: {  	[simem:s7], [sflag:s8] =	dma.local @!p0 [hbm:s6], $0xF7A  }
0x23: {  	s9 =	sor.u32 $0xD0000000, s2;
	s6 =	simm.s32 $0x108;
	_ =	swait.ge @!p0 [sflag:s8], $0x0  }
0x24: {  	s3 =	sadd.s32 $0x88, s3;
	s6 =	simm.s32 @!p1 $0x1082;
	[sflag:s4] =	ssyncset.s32 $0xFFFFF086  }
0x25: {  	[simem:s6], [sflag:s4] =	dma.local [hbm:s3], $0xF7A  }
0x26: {  	[smem:$0x3F9F] =	sst s1;
	(tag) =	ssettag s2;
	_ =	strace s9  }
0x27: {  	s1 =	sld [smem:$0x3FAF]  }
0x28: {  	s2 =	sld [smem:$0x3FB0]  }
0x29: {  	s4 =	sld [smem:$0x3FB2]  }
0x2a: {  	p0 =	seq.s32 s5, $0x0;
	s5 =	sld [smem:$0x3FB3]  }
0x2b: {  	s6 =	sld [smem:$0x3FB4]  }
0x2c: {  	s7 =	sld [smem:$0x3FB5]  }
0x2d: {  	s3 =	simm.s32 $0x108;
	s8 =	sld [smem:$0x3FB6]  }
0x2e: {  	s3 =	simm.s32 @!p0 $0x1082;
	s9 =	sld [smem:$0x3FB7]  }
0x2f: {  	lr =	sadd.s32 s0, s3;
	s0 =	sld [smem:$0x3FAE]  }
0x30: {  	s3 =	sld [smem:$0x3FB1]  }
0x31: {  	[smem:$0x3FBA] =	sst s10  }
0x32: {  	s10 =	sld [smem:$0x3FB8];
	_ =	sdelay $0x3  }
0x33: {  	p0 =	seq.s32 s10, $0x1;
	s10 =	sld [smem:$0x3FBA];
	_ =	sdelay $0x3  }
0x34: {  	[smem:$0x3FBA] =	sst s10  }
0x35: {  	s10 =	sld [smem:$0x3FB9];
	_ =	sdelay $0x3  }
0x36: {  	p1 =	seq.s32 s10, $0x1;
	s10 =	sld [smem:$0x3FBA];
	_ =	sdelay $0x3  }
0x37: {  	[smem:$0x3FBA] =	sst s10  }
0x38: {  	s10 =	sld [smem:$0x3FBB]  }
0x39: {  	_ = 	snop;
	(pc) =	sbr.ind lr, $3  }
0x3a: {  	_ = 	snop  }
0x3b: {  	_ = 	snop  }
0x3c: {  	p2 =	seq.s32 s10, $0x1;
	s10 =	sld [smem:$0x3FBA]  }
0x3d: {  	_ =	shalt  }
0x3e: {  	_ =	shalt  }
0x3f: {  	_ =	shalt  }
0x40: {  	_ =	shalt  }
0x41: {  	_ =	shalt  }
0x42: {  	_ =	shalt  }
0x43: {  	_ =	shalt  }
0x44: {  	_ =	shalt  }
0x45: {  	_ =	shalt  }
0x46: {  	_ =	shalt  }
0x47: {  	_ =	shalt  }
0x48: {  	_ =	shalt  }
0x49: {  	_ =	shalt  }
0x4a: {  	_ =	shalt  }
0x4b: {  	_ =	shalt  }
0x4c: {  	_ =	shalt  }
0x4d: {  	_ =	shalt  }
0x4e: {  	_ =	shalt  }
0x4f: {  	_ =	shalt  }
0x50: {  	_ =	shalt  }
0x51: {  	_ =	shalt  }
0x52: {  	_ =	shalt  }
0x53: {  	_ =	shalt  }
0x54: {  	_ =	shalt  }
0x55: {  	_ =	shalt  }
0x56: {  	_ =	shalt  }
0x57: {  	_ =	shalt  }
0x58: {  	_ =	shalt  }
0x59: {  	_ =	shalt  }
0x5a: {  	_ =	shalt  }
0x5b: {  	_ =	shalt  }
0x5c: {  	_ =	shalt  }
0x5d: {  	_ =	shalt  }
0x5e: {  	_ =	shalt  }
0x5f: {  	_ =	shalt  }
0x60: {  	_ =	shalt  }
0x61: {  	_ =	shalt  }
0x62: {  	_ =	shalt  }
0x63: {  	_ =	shalt  }
0x64: {  	_ =	shalt  }
0x65: {  	_ =	shalt  }
0x66: {  	_ =	shalt  }
0x67: {  	_ =	shalt  }
0x68: {  	_ =	shalt  }
0x69: {  	_ =	shalt  }
0x6a: {  	_ =	shalt  }
0x6b: {  	_ =	shalt  }
0x6c: {  	_ =	shalt  }
0x6d: {  	_ =	shalt  }
0x6e: {  	_ =	shalt  }
0x6f: {  	_ =	shalt  }
0x70: {  	_ =	shalt  }
0x71: {  	_ =	shalt  }
0x72: {  	_ =	shalt  }
0x73: {  	_ =	shalt  }
0x74: {  	_ =	shalt  }
0x75: {  	_ =	shalt  }
0x76: {  	_ =	shalt  }
0x77: {  	_ =	shalt  }
0x78: {  	_ =	shalt  }
0x79: {  	_ =	shalt  }
0x7a: {  	_ =	shalt  }
0x7b: {  	_ =	shalt  }
0x7c: {  	_ =	shalt  }
0x7d: {  	_ =	shalt  }
0x7e: {  	_ =	shalt  }
0x7f: {  	_ =	shalt  }
0x80: {  	_ =	shalt  }
0x81: {  	_ =	shalt  }
0x82: {  	_ =	shalt  }
0x83: {  	_ =	shalt  }
0x84: {  	_ =	shalt  }
0x85: {  	_ =	shalt  }
0x86: {  	_ =	shalt  }
0x87: {  	_ =	shalt  }
.Lfunc_end0:
.L_simem_size_0:
called_computation_lowered:
.L_overlay_start_0:
0x88: {  	s2 =	sld [smem:$0x3FD9]  }
0x89: {  	s3 =	sld [smem:$0x3FFE];
	_ =	sdelay $0x1  }
0x8a: {  	s1 =	srdreg.scid  }
0x8b: {  	s0 =	sand.u32 $0x1, s1  }
0x8c: {  	s17 =	sshll.u32 s0, $0xA;
	s2 =	sadd.s32 s3, s2  }
0x8d: {  	s2 =	sadd.s32 s2, s17  }
0x8e: {  	[smem:$0x3FC6] =	sst s2  }
0x8f: {  	_ = 	snop  }
0x90: {  	s2 =	sld [smem:$0x3FD0];
	(tm) =	ssettm $0x1  }
0x91: {  	s18 =	sld [smem:$0x3FFB];
	_ =	sdelay $0x3  }
0x92: {  	_ =	strace s18  }
0x93: {  	s3 =	sld [smem:$0x3FFC];
	_ =	sdelay $0x3  }
0x94: {  	_ =	strace s3  }
0x95: {  	s3 =	sld [smem:$0x3FFD];
	_ =	sdelay $0x3  }
0x96: {  	_ =	strace s3  }
0x97: {  	_ =	strace $0x8FFFFFFF  }
0x98: {  	s19 =	sld [smem:$0x3FDB];
	_ =	sdelay $0x1  }
0x99: {  	s4 =	simm.s32 $_scs_section_size  }
0x9a: {  	s5 =	simm.s32 $_size__tile_overlayer_lowered;
	s6 =	simm.s32 $_tile_overlayer_lowered  }
0x9b: {  	s22 =	simm.s32 $0x1BFF;
	s21 =	sshll.u32 s6, $0x1;
	s3 =	sadd.s32 s4, s19  }
0x9c: {  	s7 =	simm.s32 $0x0;
	s20 =	sshll.u32 s5, $0x1;
	s5 =	sadd.s32 s21, s3  }
0x9d: {  	[timem:s7], [sflag:s22] =	dma.local [hbm:s5], s20  }
0x9e: {  	_ =	swait.ge [sflag:s22], s20  }
0x9f: {  	s4 =	ssub.s32 $0x0, s20;
	[sflag:s22] =	ssyncset.done $0x0  }
0xa0: {  	[sflag:s22] =	ssyncadd.s32 s4;
	_ =	sdelay $0x1  }
0xa1: {  	s23 =	simm.s32 $0x1B8B  }
0xa2: {  	_ =	swait.ge [sflag:s23], $0x1  }
0xa3: {  	[sflag:s23] =	ssyncset.done $0x0  }
0xa4: {  	s25 =	simm.s32 $0x1B8E;
	s24 =	sld [smem:$0x3FFE];
	[sflag:s23] =	ssyncadd.s32 $0xFFFFFFFF  }
0xa5: {  	s26 =	simm.s32 $execute0_lowered;
	[smem:$0x3FD2] =	sst s25  }
0xa6: {  	s5 =	sshll.u32 s26, $0x1;
	_ =	strace $0x80000046;
	[dreg:$0x1] =	wrdreg $0xFFFFFFFF  }
0xa7: {  	s28 =	simm.s32 $_size_execute0_lowered;
	s3 =	sadd.s32 s3, s5;
	[dreg:$0x0] =	wrdreg $0x0  }
0xa8: {  	s5 =	sshll.u32 s28, $0x1;
	[dreg:$0x2] =	wrdreg s3  }
0xa9: {  	[dreg:$0x3] =	wrdreg s5  }
0xaa: {  	[dreg:$0x4] =	wrdreg $0xC0  }
0xab: {  	_ =	task [dreg:s7], $0x5FFFF  }
0xac: {  	[dreg:$0x1] =	wrdreg $0xFFFFFFFF  }
0xad: {  	[dreg:$0x0] =	wrdreg $0x60  }
0xae: {  	[dreg:$0x2] =	wrdreg s24  }
0xaf: {  	[dreg:$0x3] =	wrdreg s2  }
0xb0: {  	[dreg:$0x4] =	wrdreg $0x9  }
0xb1: {  	_ =	task.clear_ibuf [dreg:s7], $0x5FFFF;
	_ =	strace $0x90000046  }
0xb2: {  	s29 =	simm.s32 $0x9;
	_ =	strace $0x80000048  }
0xb3: {  	_ =	swait.ge [sflag:s29], $0x1  }
0xb4: {  	[sflag:s29] =	ssyncadd.s32 $0xFFFFFFFF  }
0xb5: {  	_ =	strace $0x90000048  }
0xb6: {  	_ =	sfence  }
0xb7: {  	s30 =	sld [smem:$0x0];
	_ =	sdelay $0x2  }
0xb8: {  	s31 =	sshll.u32 s1, $0xD;
	s1 =	sshrl.u32 s1, $0x2  }
0xb9: {  	s3 =	sand.u32 $0x4000, s31;
	s1 =	sadd.s32 s1, s30  }
0xba: {  	s0 =	sor.u32 s3, s0;
	s1 =	sshll.u32 s1, $0x11  }
0xbb: {  	s0 =	sor.u32 s1, s0  }
0xbc: {  	s0 =	sadd.s32 $0x8F2B, s0  }
0xbd: {  	[sflag:s0] =	ssyncadd.remote.s32 $0x1  }
0xbe: {  	_ =	sfence.sel $0xFFFF  }
0xbf: {  	[dreg:$0x0] =	wrdreg $0xFFFFFFFF;
	(pc) =	sbr.abs _section_cstart, $3  }
0xc0: {  	[dreg:$0x1] =	wrdreg $0xFFFFFFFF  }
0xc1: {  	_ =	task.clear_ibuf [dreg:s7], $0x2FFFF;
	_ =	strace $0x9FFFFFFF  }
0xc2: {  	(tm) =	ssettm $0x7FFFFFFF  }
0xc3: {  	_ =	shalt  }
tec
execute0_lowered:
.L_overlay_start_1:
0x0: {  	(tag) =	ssettag $0x1  }
0x1: {  	s0 =	rddreg [dreg:$0x0]  }
0x2: {  	s2 =	rddreg [dreg:$0x1];
	s3 =	simm.s32 $0x0;
	s1 =	srdreg.scid  }
0x3: {  	s4 =	stileid.u32;
	s13 =	simm.s32 $0x1;
	s14 =	simm.s32 $0x200  }
0x4: {  	s15 =	simm.s32 $0x400;
	s16 =	simm.s32 $0x2400;
	s17 =	simm.s32 $0x2  }
0x5: {  	s20 =	simm.s32 $0x3;
	s21 =	simm.s32 $0x5;
	s24 =	simm.s32 $0x4  }
0x6: {  	[smem:$0x7FF] =	sst s3;
	s1 =	sand.u32 $0x1, s1;
	s4 =	sshll.u32 s4, $0x1  }
0x7: {  	s5 =	sadd.s32 $0xF42A00, s0;
	_ =	strace $0x80000047;
	s6 =	sor.u32 s1, s4  }
0x8: {  	s4 =	sadd.s32 $0x600, s0;
	s1 =	ssub.s32 $0x2, s1;
	s7 =	sshll.u32 s6, $0x6  }
0x9: {  	s30 =	sshrl.u32 s1, $0x1;
	s31 =	sshll.u32 s6, $0x9;
	s7 =	sadd.s32 s4, s7  }
0xa: {  	s0 =	ssub.s32 s1, s30;
	s1 =	sor.u32 $0xC000, s31;
	[dreg:$0x3] =	wrdreg s7  }
0xb: {  	s10 =	sshll.u32 s6, $0xC;
	s7 =	sadd.s32 $0x800, s7;
	[dreg:$0x5] =	wrdreg s1  }
0xc: {  	v0 =	vlaneseq.u32;
	s8 =	sor.u32 $0x8000, s31;
	s0 =	smax.u32 s0, $0x1;
	[dreg:$0x4] =	wrdreg s7  }
0xd: {  	v0 =	vmul.u32 $0x10, v0;
	s11 =	sor.u32 $0x20000, s10;
	s1 =	simm.s32 $0x0;
	[dreg:$0x6] =	wrdreg s0  }
.LBB2_1:
0xe: {  	[dreg:$0x7] =	wrdreg s1  }
0xf: {  	s0 =	rddreg [dreg:$0x3]  }
0x10: {  	[tilespmem:s3], [sflag:$0x1] =	stream.linear.gather [hbm4b:s0+s3], $0x200, $0x38;
	[tilespmem:$0x8400] =	vst v63  }
0x11: {  	_ =	swait.ge [sflag:s13], $0x200  }
0x12: {  	[sflag:s13] =	ssyncset.done $0x0  }
0x13: {  	[sflag:s13] =	ssyncadd.s32 $0xFFFFFE00  }
0x14: {  	[tilespmem:s15], [sflag:$0x2] =	stream.indirect.gather [hbm4b:s5+s14], $0x10, s3, s14, $0xb8;
	[tilespmem:$0x8400] =	vst v63  }
0x15: {  	s26 =	simm.s32 $0x0;
	s31 =	rddreg [dreg:$0x4]  }
0x16: {  	[tilespmem:s14], [sflag:$0x1] =	stream.linear.gather [hbm4b:s31+s3], $0x200, $0x38;
	[tilespmem:$0x8400] =	vst v63  }
.LBB2_2:
0x17: {  	_ =	swait.ge [sflag:s13], $0x200;
	p0 =	seq.s32 s26, $0x63  }
0x18: {  	[sflag:s13] =	ssyncset.done $0x0;
	p1 =	seq.s32 @!p0 s26, $0x0  }
0x19: {  	[sflag:s13] =	ssyncadd.s32 $0xFFFFFE00;
	p1 =	por p0, !p1  }
0x1a: {  	[tilespmem:s16], [sflag:$0x3] =	stream.indirect.gather [hbm4b:s5+s14], $0x10, s14, s14, $0xb8;
	[tilespmem:$0x8400] =	vst v63  }
.Ltmp0:
0x1b: {  	s0 =	sshll.u32 @!p0 s26, $0xF;
	(pc) =	sbr.rel @!p1 .LBB2_3-.Ltmp0, $4  }
0x1c: {  	s0 =	sadd.s32 @!p0 s8, s0;
	_ =	swait.ge [sflag:s17], $0x2000  }
0x1d: {  	s0 =	sshrl.u32 @!p0 s0, $0x3;
	[sflag:s17] =	ssyncset.done $0x0  }
0x1e: {  	s1 =	simm.s32 @!p0 $0x0;
	s0 =	sadd.s32 @!p0 s4, s0;
	[sflag:s17] =	ssyncadd.s32 $0xFFFFE000  }
0x1f: {  	[tilespmem:s1], [sflag:$0x1] =	stream.linear.gather @!p0 [hbm4b:s0+s1], $0x200, $0x38;
	[tilespmem:$0x8400] =	vst v63  }
0x20: {  	_ =	swait.ge [sflag:s24], $0x1000  }
.Ltmp1:
0x21: {  	[sflag:s24] =	ssyncset.done $0x0;
	(pc) =	sbr.rel .LBB2_5-.Ltmp1, $4  }
0x22: {  	[sflag:s24] =	ssyncadd.s32 $0xFFFFF000  }
0x23: {  	_ =	swait.ge [sflag:s24], $0x1000  }
0x24: {  	[sflag:s24] =	ssyncset.done $0x0  }
0x25: {  	p0 =	por $0x0, $0x0;
	[sflag:s24] =	ssyncadd.s32 $0xFFFFF000  }
.LBB2_3:
0x26: {  	p0 =	por @!p0 $0x1, $0x1  }
.LBB2_5:
0x27: {  	s0 =	simm.s32 $0x0  }
0x28: {  	v1 =	vmov s0  }
0x29: {  	v1 =	vshll.u32 v1, $0x4  }
0x2a: {  	v5 =	vor.u32 v0, v1;
	_ =	sdelay $0x1  }
0x2b: {  	s1 =	simm.s32 $0x10  }
0x2c: {  	v1 =	vmov s1  }
0x2d: {  	v1 =	vshll.u32 v1, $0x4  }
0x2e: {  	v4 =	vor.u32 v0, v1;
	v1 =	vld.idx.msk [tilespmem:v5+s15+$0x0], $0xffff  }
0x2f: {  	s6 =	simm.s32 $0x0;
	v2 =	vor.u32 $0x1, v5  }
0x30: {  	s6 =	sand.u32 $0xC00, s6  }
0x31: {  	s0 =	sand.u32 $0x60, s0;
	s7 =	sadd.s32 $0x4400, s6  }
0x32: {  	s6 =	sor.u32 s0, s7  }
0x33: {  	v3 =	vld.idx.msk [tilespmem:v4+s15+$0x0], $0xffff;
	[tilespmem:s6+$0x0] =	vst v1  }
0x34: {  	v1 =	vor.u32 $0x1, v4;
	v2 =	vld.idx.msk [tilespmem:v2+s15+$0x0], $0xffff  }
0x35: {  	v6 =	vor.u32 $0x2, v5  }
0x36: {  	s25 =	sand.u32 $0x70, s1  }
0x37: {  	s29 =	sor.u32 s25, s7  }
0x38: {  	[tilespmem:s29+$0x0] =	vst v3  }
0x39: {  	v1 =	vld.idx.msk [tilespmem:v1+s15+$0x0], $0xffff;
	[tilespmem:s6+$0x80] =	vst v2  }
0x3a: {  	v2 =	vor.u32 $0x2, v4;
	v3 =	vld.idx.msk [tilespmem:v6+s15+$0x0], $0xffff  }
0x3b: {  	v6 =	vor.u32 $0x3, v5;
	_ =	sdelay $0x2  }
0x3c: {  	[tilespmem:s29+$0x80] =	vst v1  }
0x3d: {  	v1 =	vld.idx.msk [tilespmem:v2+s15+$0x0], $0xffff;
	[tilespmem:s6+$0x100] =	vst v3  }
0x3e: {  	v2 =	vor.u32 $0x3, v4;
	v3 =	vld.idx.msk [tilespmem:v6+s15+$0x0], $0xffff  }
0x3f: {  	s1 =	simm.s32 $0x20;
	v7 =	vor.u32 $0x4, v5  }
0x40: {  	s9 =	simm.s32 $0x30;
	v6 =	vmov s1  }
0x41: {  	v8 =	vmov s9;
	v6 =	vshll.u32 v6, $0x4  }
0x42: {  	v8 =	vshll.u32 v8, $0x4;
	[tilespmem:s29+$0x100] =	vst v1;
	v1 =	vor.u32 v0, v6  }
0x43: {  	v6 =	vor.u32 v0, v8;
	v2 =	vld.idx.msk [tilespmem:v2+s15+$0x0], $0xffff;
	[tilespmem:s6+$0x180] =	vst v3  }
0x44: {  	v3 =	vor.u32 $0x4, v4;
	v7 =	vld.idx.msk [tilespmem:v7+s15+$0x0], $0xffff  }
0x45: {  	v8 =	vor.u32 $0x5, v5;
	_ =	sdelay $0x1  }
0x46: {  	v9 =	vld.idx.msk [tilespmem:v1+s15+$0x0], $0xffff  }
0x47: {  	s12 =	simm.s32 $0x100;
	v10 =	vor.u32 $0x1, v1;
	[tilespmem:s29+$0x180] =	vst v2;
	v2 =	vld.idx.msk [tilespmem:v6+s15+$0x0], $0xffff  }
0x48: {  	s7 =	sand.u32 $0xC00, s12;
	v11 =	vor.u32 $0x1, v6;
	v3 =	vld.idx.msk [tilespmem:v3+s15+$0x0], $0xffff;
	[tilespmem:s6+$0x200] =	vst v7  }
0x49: {  	s0 =	sand.u32 $0x60, s1;
	s7 =	sadd.s32 $0x4400, s7;
	v7 =	vor.u32 $0x5, v4;
	v8 =	vld.idx.msk [tilespmem:v8+s15+$0x0], $0xffff  }
0x4a: {  	v12 =	vor.u32 $0x6, v5;
	s30 =	sor.u32 s0, s7;
	s1 =	sand.u32 $0x70, s9  }
0x4b: {  	s31 =	sor.u32 s1, s7;
	[tilespmem:s30+$0x0] =	vst v9  }
0x4c: {  	v9 =	vld.idx.msk [tilespmem:v10+s15+$0x0], $0xffff;
	[tilespmem:s31+$0x0] =	vst v2  }
0x4d: {  	[tilespmem:s29+$0x200] =	vst v3;
	v2 =	vld.idx.msk [tilespmem:v11+s15+$0x0], $0xffff;
	v3 =	vor.u32 $0x2, v1  }
0x4e: {  	v10 =	vor.u32 $0x2, v6;
	v7 =	vld.idx.msk [tilespmem:v7+s15+$0x0], $0xffff;
	[tilespmem:s6+$0x280] =	vst v8  }
0x4f: {  	v8 =	vor.u32 $0x6, v4;
	v11 =	vld.idx.msk [tilespmem:v12+s15+$0x0], $0xffff  }
0x50: {  	v12 =	vor.u32 $0x7, v5  }
0x51: {  	[tilespmem:s30+$0x80] =	vst v9  }
0x52: {  	v3 =	vld.idx.msk [tilespmem:v3+s15+$0x0], $0xffff;
	[tilespmem:s31+$0x80] =	vst v2  }
0x53: {  	[tilespmem:s29+$0x280] =	vst v7;
	v2 =	vld.idx.msk [tilespmem:v10+s15+$0x0], $0xffff;
	v7 =	vor.u32 $0x3, v1  }
0x54: {  	v9 =	vor.u32 $0x3, v6;
	v8 =	vld.idx.msk [tilespmem:v8+s15+$0x0], $0xffff;
	[tilespmem:s6+$0x300] =	vst v11  }
0x55: {  	v10 =	vor.u32 $0x7, v4;
	v11 =	vld.idx.msk [tilespmem:v12+s15+$0x0], $0xffff  }
0x56: {  	v12 =	vor.u32 $0x8, v5  }
0x57: {  	[tilespmem:s30+$0x100] =	vst v3  }
0x58: {  	v3 =	vld.idx.msk [tilespmem:v7+s15+$0x0], $0xffff;
	[tilespmem:s31+$0x100] =	vst v2  }
0x59: {  	[tilespmem:s29+$0x300] =	vst v8;
	v7 =	vld.idx.msk [tilespmem:v9+s15+$0x0], $0xffff;
	v8 =	vor.u32 $0x4, v1  }
0x5a: {  	s18 =	simm.s32 $0x40;
	v9 =	vor.u32 $0x4, v6;
	v13 =	vld.idx.msk [tilespmem:v10+s15+$0x0], $0xffff;
	[tilespmem:s6+$0x380] =	vst v11  }
0x5b: {  	s19 =	simm.s32 $0x50;
	v2 =	vmov s18;
	v11 =	vor.u32 $0x8, v4;
	v12 =	vld.idx.msk [tilespmem:v12+s15+$0x0], $0xffff  }
0x5c: {  	v14 =	vor.u32 $0x9, v5;
	v2 =	vshll.u32 v2, $0x4;
	v10 =	vmov s19  }
0x5d: {  	v2 =	vor.u32 v0, v2;
	v10 =	vshll.u32 v10, $0x4;
	[tilespmem:s30+$0x180] =	vst v3  }
0x5e: {  	v10 =	vor.u32 v0, v10;
	v3 =	vld.idx.msk [tilespmem:v8+s15+$0x0], $0xffff;
	[tilespmem:s31+$0x180] =	vst v7  }
0x5f: {  	v8 =	vor.u32 $0x5, v1;
	[tilespmem:s29+$0x380] =	vst v13;
	v7 =	vld.idx.msk [tilespmem:v9+s15+$0x0], $0xffff  }
0x60: {  	v9 =	vor.u32 $0x5, v6;
	v11 =	vld.idx.msk [tilespmem:v11+s15+$0x0], $0xffff;
	[tilespmem:s6+$0x1000] =	vst v12  }
0x61: {  	v12 =	vor.u32 $0x9, v4;
	v13 =	vld.idx.msk [tilespmem:v14+s15+$0x0], $0xffff  }
0x62: {  	v15 =	vor.u32 $0xA, v5;
	v14 =	vld.idx.msk [tilespmem:v2+s15+$0x0], $0xffff  }
0x63: {  	s22 =	simm.s32 $0x200;
	v17 =	vor.u32 $0x1, v2;
	v16 =	vld.idx.msk [tilespmem:v10+s15+$0x0], $0xffff;
	[tilespmem:s30+$0x200] =	vst v3  }
0x64: {  	s7 =	sand.u32 $0xC00, s22;
	v3 =	vor.u32 $0x1, v10;
	v8 =	vld.idx.msk [tilespmem:v8+s15+$0x0], $0xffff;
	[tilespmem:s31+$0x200] =	vst v7  }
0x65: {  	s0 =	sand.u32 $0x60, s18;
	s7 =	sadd.s32 $0x4400, s7;
	[tilespmem:s29+$0x1000] =	vst v11;
	v7 =	vld.idx.msk [tilespmem:v9+s15+$0x0], $0xffff;
	v9 =	vor.u32 $0x6, v1  }
0x66: {  	s1 =	sand.u32 $0x70, s19;
	s0 =	sor.u32 s0, s7;
	v11 =	vor.u32 $0x6, v6;
	v12 =	vld.idx.msk [tilespmem:v12+s15+$0x0], $0xffff;
	[tilespmem:s6+$0x1080] =	vst v13  }
0x67: {  	s1 =	sor.u32 s1, s7;
	v13 =	vor.u32 $0xA, v4;
	[tilespmem:s0+$0x0] =	vst v14;
	v14 =	vld.idx.msk [tilespmem:v15+s15+$0x0], $0xffff  }
0x68: {  	[tilespmem:s1+$0x0] =	vst v16;
	v16 =	vor.u32 $0xB, v5;
	v15 =	vld.idx.msk [tilespmem:v17+s15+$0x0], $0xffff  }
0x69: {  	v3 =	vld.idx.msk [tilespmem:v3+s15+$0x0], $0xffff;
	v17 =	vor.u32 $0x2, v2;
	[tilespmem:s30+$0x280] =	vst v8  }
0x6a: {  	v8 =	vor.u32 $0x2, v10;
	v9 =	vld.idx.msk [tilespmem:v9+s15+$0x0], $0xffff;
	[tilespmem:s31+$0x280] =	vst v7  }
0x6b: {  	v7 =	vld.idx.msk [tilespmem:v11+s15+$0x0], $0xffff;
	[tilespmem:s29+$0x1080] =	vst v12;
	v11 =	vor.u32 $0x7, v1  }
0x6c: {  	v12 =	vor.u32 $0x7, v6;
	v13 =	vld.idx.msk [tilespmem:v13+s15+$0x0], $0xffff;
	[tilespmem:s6+$0x1100] =	vst v14  }
0x6d: {  	v14 =	vor.u32 $0xB, v4;
	[tilespmem:s0+$0x80] =	vst v15;
	v15 =	vld.idx.msk [tilespmem:v16+s15+$0x0], $0xffff  }
0x6e: {  	s9 =	simm.s32 $0x70;
	[tilespmem:s1+$0x80] =	vst v3;
	v3 =	vor.u32 $0xC, v5;
	v16 =	vld.idx.msk [tilespmem:v17+s15+$0x0], $0xffff  }
0x6f: {  	v18 =	vmov s9;
	v8 =	vld.idx.msk [tilespmem:v8+s15+$0x0], $0xffff;
	v17 =	vor.u32 $0x3, v2;
	[tilespmem:s30+$0x300] =	vst v9  }
0x70: {  	v18 =	vshll.u32 v18, $0x4;
	v9 =	vor.u32 $0x3, v10;
	v11 =	vld.idx.msk [tilespmem:v11+s15+$0x0], $0xffff;
	[tilespmem:s31+$0x300] =	vst v7  }
0x71: {  	v29 =	vor.u32 v0, v18;
	v7 =	vld.idx.msk [tilespmem:v12+s15+$0x0], $0xffff;
	[tilespmem:s29+$0x1100] =	vst v13  }
0x72: {  	v12 =	vor.u32 $0x8, v1;
	v14 =	vld.idx.msk [tilespmem:v14+s15+$0x0], $0xffff;
	[tilespmem:s6+$0x1180] =	vst v15  }
0x73: {  	v13 =	vor.u32 $0x8, v6;
	[tilespmem:s0+$0x100] =	vst v16;
	v3 =	vld.idx.msk [tilespmem:v3+s15+$0x0], $0xffff  }
0x74: {  	[tilespmem:s1+$0x100] =	vst v8;
	v8 =	vor.u32 $0xD, v5;
	v16 =	vld.idx.msk [tilespmem:v17+s15+$0x0], $0xffff  }
0x75: {  	v9 =	vld.idx.msk [tilespmem:v9+s15+$0x0], $0xffff;
	v17 =	vor.u32 $0x4, v2;
	[tilespmem:s30+$0x380] =	vst v11  }
0x76: {  	s23 =	simm.s32 $0x60;
	v18 =	vld.idx.msk [tilespmem:v29+s15+$0x0], $0xffff;
	v11 =	vor.u32 $0x4, v10;
	[tilespmem:s31+$0x380] =	vst v7  }
0x77: {  	v15 =	vor.u32 $0xC, v4;
	v12 =	vld.idx.msk [tilespmem:v12+s15+$0x0], $0xffff;
	v7 =	vmov s23;
	[tilespmem:s29+$0x1180] =	vst v14  }
0x78: {  	v13 =	vld.idx.msk [tilespmem:v13+s15+$0x0], $0xffff;
	v7 =	vshll.u32 v7, $0x4;
	v14 =	vor.u32 $0x9, v1;
	[tilespmem:s6+$0x1200] =	vst v3  }
0x79: {  	v3 =	vor.u32 v0, v7;
	[tilespmem:s0+$0x180] =	vst v16;
	v7 =	vld.idx.msk [tilespmem:v8+s15+$0x0], $0xffff  }
0x7a: {  	[tilespmem:s1+$0x180] =	vst v9;
	v9 =	vor.u32 $0xE, v5;
	v8 =	vld.idx.msk [tilespmem:v17+s15+$0x0], $0xffff  }
0x7b: {  	v16 =	vor.u32 $0x5, v2;
	v11 =	vld.idx.msk [tilespmem:v11+s15+$0x0], $0xffff  }
0x7c: {  	v15 =	vld.idx.msk [tilespmem:v15+s15+$0x0], $0xffff;
	[tilespmem:s30+$0x1000] =	vst v12;
	v12 =	vor.u32 $0x5, v10  }
0x7d: {  	v17 =	vor.u32 $0x9, v6;
	v14 =	vld.idx.msk [tilespmem:v14+s15+$0x0], $0xffff;
	[tilespmem:s31+$0x1000] =	vst v13  }
0x7e: {  	v19 =	vor.u32 $0xA, v1;
	v13 =	vld.idx.msk [tilespmem:v3+s15+$0x0], $0xffff;
	[tilespmem:s6+$0x1280] =	vst v7  }
0x7f: {  	s25 =	simm.s32 $0x300;
	v7 =	vor.u32 $0x1, v3;
	[tilespmem:s0+$0x200] =	vst v8;
	v8 =	vld.idx.msk [tilespmem:v9+s15+$0x0], $0xffff  }
0x80: {  	s12 =	sand.u32 $0xC00, s25;
	[tilespmem:s1+$0x200] =	vst v11;
	v9 =	vor.u32 $0x1, v29;
	v16 =	vld.idx.msk [tilespmem:v16+s15+$0x0], $0xffff  }
0x81: {  	s12 =	sadd.s32 $0x4400, s12;
	s7 =	sand.u32 $0x60, s23;
	v5 =	vor.u32 $0xF, v5;
	[tilespmem:s29+$0x1200] =	vst v15;
	v11 =	vld.idx.msk [tilespmem:v12+s15+$0x0], $0xffff  }
0x82: {  	s9 =	sand.u32 $0x70, s9;
	s7 =	sor.u32 s7, s12;
	v12 =	vor.u32 $0x6, v2;
	[tilespmem:s30+$0x1080] =	vst v14;
	v14 =	vld.idx.msk [tilespmem:v17+s15+$0x0], $0xffff  }
0x83: {  	s12 =	sor.u32 s9, s12;
	v15 =	vor.u32 $0x6, v10;
	[tilespmem:s7+$0x0] =	vst v13;
	v13 =	vld.idx.msk [tilespmem:v19+s15+$0x0], $0xffff  }
0x84: {  	[tilespmem:s12+$0x0] =	vst v18;
	v17 =	vor.u32 $0xA, v6;
	v19 =	vld.idx.msk [tilespmem:v7+s15+$0x0], $0xffff  }
0x85: {  	v18 =	vor.u32 $0xB, v1;
	v9 =	vld.idx.msk [tilespmem:v9+s15+$0x0], $0xffff;
	[tilespmem:s6+$0x1300] =	vst v8  }
0x86: {  	v20 =	vor.u32 $0x2, v3;
	[tilespmem:s0+$0x280] =	vst v16;
	v16 =	vld.idx.msk [tilespmem:v5+s15+$0x0], $0xffff  }
0x87: {  	[tilespmem:s1+$0x280] =	vst v11;
	v11 =	vor.u32 $0xD, v4;
	v12 =	vld.idx.msk [tilespmem:v12+s15+$0x0], $0xffff  }
0x88: {  	v21 =	vor.u32 $0x2, v29;
	v22 =	vld.idx.msk [tilespmem:v15+s15+$0x0], $0xffff;
	[tilespmem:s31+$0x1080] =	vst v14  }
0x89: {  	v32 =	vor.u32 $0xE, v4;
	v23 =	vld.idx.msk [tilespmem:v17+s15+$0x0], $0xffff;
	[tilespmem:s30+$0x1100] =	vst v13  }
0x8a: {  	v24 =	vor.u32 $0xB, v6;
	v37 =	vor.u32 $0x3, v29;
	v14 =	vor.u32 $0x7, v2;
	[tilespmem:s7+$0x80] =	vst v19;
	v18 =	vld.idx.msk [tilespmem:v18+s15+$0x0], $0xffff  }
0x8b: {  	v27 =	vor.u32 $0x4, v29;
	v26 =	vor.u32 $0x5, v29;
	v25 =	vor.u32 $0x7, v10;
	v30 =	vld.idx.msk [tilespmem:v20+s15+$0x0], $0xffff;
	[tilespmem:s12+$0x80] =	vst v9  }
0x8c: {  	v28 =	vor.u32 $0x8, v29;
	v35 =	vor.u32 $0x3, v3;
	v7 =	vor.u32 $0xF, v4;
	v36 =	vld.idx.msk [tilespmem:v11+s15+$0x0], $0xffff;
	[tilespmem:s6+$0x1380] =	vst v16  }
0x8d: {  	v8 =	vor.u32 $0xD, v6;
	v4 =	vor.u32 $0xF, v6;
	v34 =	vld.idx.msk [tilespmem:v21+s15+$0x0], $0xffff;
	v21 =	vor.u32 $0xC, v1;
	[tilespmem:s0+$0x300] =	vst v12  }
0x8e: {  	v5 =	vor.u32 $0xE, v6;
	v15 =	vor.u32 $0xC, v10;
	v17 =	vor.u32 $0xA, v10;
	[tilespmem:s1+$0x300] =	vst v22  }
0x8f: {  	v13 =	vor.u32 $0xC, v6;
	v6 =	vor.u32 $0xF, v10;
	v19 =	vor.u32 $0x9, v10;
	v38 =	vld.idx.msk [tilespmem:v14+s15+$0x0], $0xffff;
	[tilespmem:s31+$0x1100] =	vst v23  }
0x90: {  	v20 =	vor.u32 $0x8, v10;
	v11 =	vor.u32 $0xD, v10;
	v9 =	vor.u32 $0xE, v10;
	v33 =	vld.idx.msk [tilespmem:v25+s15+$0x0], $0xffff;
	[tilespmem:s30+$0x1180] =	vst v18  }
0x91: {  	v16 =	vor.u32 $0xB, v10;
	v22 =	vor.u32 $0xC, v29;
	v31 =	vld.idx.msk [tilespmem:v24+s15+$0x0], $0xffff;
	[tilespmem:s29+$0x1280] =	vst v36;
	v36 =	vor.u32 $0x8, v2  }
0x92: {  	v12 =	vor.u32 $0xE, v29;
	v10 =	vor.u32 $0xF, v29;
	v25 =	vor.u32 $0x6, v29;
	[tilespmem:s7+$0x100] =	vst v30;
	v30 =	vld.idx.msk [tilespmem:v21+s15+$0x0], $0xffff  }
0x93: {  	v23 =	vor.u32 $0x9, v29;
	v14 =	vor.u32 $0xD, v29;
	v24 =	vor.u32 $0x7, v29;
	v35 =	vld.idx.msk [tilespmem:v35+s15+$0x0], $0xffff  }
0x94: {  	s6 =	sshll.u32 s26, $0x13;
	v18 =	vor.u32 $0xB, v29;
	v21 =	vor.u32 $0xA, v29;
	[tilespmem:s12+$0x100] =	vst v34;
	v29 =	vor.u32 $0xD, v1;
	v32 =	vld.idx.msk [tilespmem:v32+s15+$0x0], $0xffff  }
0x95: {  	s9 =	simm.s32 $0x6;
	s18 =	simm.s32 $0x90;
	s28 =	sor.u32 $0x40000, s6;
	v34 =	vld.idx.msk [tilespmem:v37+s15+$0x0], $0xffff;
	v37 =	vor.u32 $0x4, v3;
	[tilespmem:s0+$0x380] =	vst v38  }
.LBB2_6:
0x96: {  	s22 =	sadd.s32 $0xFFFFFFF0, s18;
	v38 =	vmov s18;
	s19 =	sand.u32 $0x70, s18;
	s9 =	sadd.s32 $0x2, s9;
	v36 =	vld.idx.msk [tilespmem:v36+s15+$0x0], $0xffff;
	[tilespmem:s1+$0x380] =	vst v33  }
0x97: {  	v33 =	vmov s22;
	v38 =	vshll.u32 v38, $0x4;
	p1 =	slt.u32 s9, $0x1E;
	v39 =	vld.idx.msk [tilespmem:v20+s15+$0x0], $0xffff;
	[tilespmem:s31+$0x1180] =	vst v31;
	v20 =	vmov v28  }
0x98: {  	v28 =	vshll.u32 v33, $0x4;
	v31 =	vor.u32 v0, v38;
	v33 =	vor.u32 $0x9, v2;
	[tilespmem:s30+$0x1200] =	vst v30;
	v30 =	vld.idx.msk [tilespmem:v13+s15+$0x0], $0xffff;
	v13 =	vmovc v15  }
0x99: {  	v15 =	vmovc v22;
	v38 =	vor.u32 v0, v28;
	v40 =	vor.u32 $0x1, v31;
	v41 =	vor.u32 $0x2, v31;
	[tilespmem:s7+$0x180] =	vst v35;
	v35 =	vld.idx.msk [tilespmem:v29+s15+$0x0], $0xffff  }
0x9a: {  	v29 =	vor.u32 $0x3, v31;
	v22 =	vor.u32 $0x4, v31;
	v42 =	vor.u32 $0x5, v31;
	v37 =	vld.idx.msk [tilespmem:v37+s15+$0x0], $0xffff;
	[tilespmem:s12+$0x180] =	vst v34  }
0x9b: {  	v45 =	vor.u32 $0xE, v1;
	v43 =	vor.u32 $0x7, v31;
	v34 =	vor.u32 $0x6, v31;
	v44 =	vld.idx.msk [tilespmem:v27+s15+$0x0], $0xffff;
	[tilespmem:s29+$0x1300] =	vst v32;
	v27 =	vmovc v22  }
0x9c: {  	v46 =	vor.u32 $0x5, v3;
	v28 =	vor.u32 $0x8, v31;
	v32 =	vor.u32 $0x9, v31;
	[tilespmem:s0+$0x1000] =	vst v36;
	v36 =	vld.idx.msk [tilespmem:v7+s15+$0x0], $0xffff;
	v7 =	vmovc v4;
	v4 =	vmovc v6  }
0x9d: {  	v47 =	vor.u32 $0xA, v31;
	v48 =	vor.u32 $0xB, v31;
	v22 =	vor.u32 $0xC, v31;
	v6 =	vmovc v10;
	v33 =	vld.idx.msk [tilespmem:v33+s15+$0x0], $0xffff;
	[tilespmem:s1+$0x1000] =	vst v39  }
0x9e: {  	v49 =	vor.u32 $0xD, v31;
	v50 =	vor.u32 $0xE, v31;
	v10 =	vor.u32 $0xF, v31;
	v39 =	vld.idx.msk [tilespmem:v38+s15+$0x0], $0xffff;
	[tilespmem:s31+$0x1200] =	vst v30  }
0x9f: {  	v30 =	vld.idx.msk [tilespmem:v31+s15+$0x0], $0xffff;
	v31 =	vor.u32 $0xA, v2;
	[tilespmem:s30+$0x1280] =	vst v35  }
0xa0: {  	s25 =	sadd.s32 $0x100, s25;
	v35 =	vor.u32 $0x1, v38;
	[tilespmem:s7+$0x200] =	vst v37;
	v37 =	vld.idx.msk [tilespmem:v45+s15+$0x0], $0xffff  }
0xa1: {  	s23 =	sand.u32 $0xC00, s25;
	v45 =	vld.idx.msk [tilespmem:v46+s15+$0x0], $0xffff;
	[tilespmem:s12+$0x200] =	vst v44  }
0xa2: {  	s22 =	sand.u32 $0x60, s22;
	s23 =	sadd.s32 $0x4400, s23;
	v46 =	vor.u32 $0xF, v1;
	v1 =	vmovc v2;
	v2 =	vmovc v3;
	v3 =	vmov v38;
	v44 =	vld.idx.msk [tilespmem:v26+s15+$0x0], $0xffff;
	[tilespmem:s29+$0x1380] =	vst v36;
	v26 =	vmov v42;
	s29 =	smov.u32 s31  }
0xa3: {  	s22 =	sor.u32 s22, s23;
	s19 =	sor.u32 s19, s23;
	v36 =	vor.u32 $0x6, v2;
	s31 =	smov.u32 s1;
	[tilespmem:s0+$0x1080] =	vst v33;
	v33 =	vld.idx.msk [tilespmem:v19+s15+$0x0], $0xffff;
	v19 =	vmov v23;
	v23 =	vmov v32  }
0xa4: {  	s1 =	smov.u32 s12;
	s12 =	smov.u32 s19;
	[tilespmem:s22+$0x0] =	vst v39;
	v31 =	vld.idx.msk [tilespmem:v31+s15+$0x0], $0xffff  }
0xa5: {  	v32 =	vld.idx.msk [tilespmem:v35+s15+$0x0], $0xffff;
	[tilespmem:s12+$0x0] =	vst v30  }
0xa6: {  	v35 =	vor.u32 $0xB, v1;
	v30 =	vld.idx.msk [tilespmem:v40+s15+$0x0], $0xffff;
	[tilespmem:s30+$0x1300] =	vst v37  }
0xa7: {  	v37 =	vor.u32 $0x2, v3;
	[tilespmem:s7+$0x280] =	vst v45;
	v38 =	vld.idx.msk [tilespmem:v46+s15+$0x0], $0xffff  }
0xa8: {  	v36 =	vld.idx.msk [tilespmem:v36+s15+$0x0], $0xffff;
	[tilespmem:s1+$0x280] =	vst v44  }
0xa9: {  	v39 =	vld.idx.msk [tilespmem:v25+s15+$0x0], $0xffff;
	[tilespmem:s31+$0x1080] =	vst v33;
	v25 =	vmov v34  }
0xaa: {  	v33 =	vor.u32 $0x7, v2;
	[tilespmem:s0+$0x1100] =	vst v31;
	v31 =	vld.idx.msk [tilespmem:v17+s15+$0x0], $0xffff;
	v17 =	vmov v21;
	v21 =	vmov v47  }
0xab: {  	[tilespmem:s22+$0x80] =	vst v32;
	v32 =	vld.idx.msk [tilespmem:v35+s15+$0x0], $0xffff  }
0xac: {  	v34 =	vld.idx.msk [tilespmem:v37+s15+$0x0], $0xffff;
	[tilespmem:s12+$0x80] =	vst v30  }
0xad: {  	v30 =	vor.u32 $0xC, v1;
	v37 =	vld.idx.msk [tilespmem:v41+s15+$0x0], $0xffff;
	[tilespmem:s30+$0x1380] =	vst v38;
	s30 =	smov.u32 s0;
	s0 =	smov.u32 s7;
	s7 =	smov.u32 s22  }
0xae: {  	v35 =	vor.u32 $0x3, v3;
	[tilespmem:s0+$0x300] =	vst v36;
	v38 =	vld.idx.msk [tilespmem:v8+s15+$0x0], $0xffff;
	v8 =	vmovc v11;
	v11 =	vmov v14;
	v14 =	vmov v49  }
0xaf: {  	v40 =	vld.idx.msk [tilespmem:v33+s15+$0x0], $0xffff;
	[tilespmem:s1+$0x300] =	vst v39  }
0xb0: {  	v33 =	vld.idx.msk [tilespmem:v24+s15+$0x0], $0xffff;
	[tilespmem:s31+$0x1100] =	vst v31;
	v24 =	vmov v43  }
.Ltmp2:
0xb1: {  	v36 =	vor.u32 $0x8, v2;
	[tilespmem:s30+$0x1180] =	vst v32;
	v31 =	vld.idx.msk [tilespmem:v16+s15+$0x0], $0xffff;
	v16 =	vmov v18;
	v18 =	vmov v48;
	(pc) =	sbr.rel @p1 .LBB2_6-.Ltmp2, $4  }
0xb2: {  	[tilespmem:s7+$0x100] =	vst v34;
	v30 =	vld.idx.msk [tilespmem:v30+s15+$0x0], $0xffff  }
0xb3: {  	v35 =	vld.idx.msk [tilespmem:v35+s15+$0x0], $0xffff;
	[tilespmem:s12+$0x100] =	vst v37  }
0xb4: {  	v34 =	vld.idx.msk [tilespmem:v29+s15+$0x0], $0xffff;
	v29 =	vor.u32 $0xD, v1;
	[tilespmem:s29+$0x1280] =	vst v38  }
0xb5: {  	s18 =	sadd.s32 $0x20, s18;
	v37 =	vor.u32 $0x4, v3;
	[tilespmem:s0+$0x380] =	vst v40;
	v32 =	vld.idx.msk [tilespmem:v5+s15+$0x0], $0xffff;
	v5 =	vmovc v9;
	v9 =	vmov v12;
	v12 =	vmov v50  }
0xb6: {  	_ =	sdelay $0x2  }
0xb7: {  	[tilespmem:s7+$0x180] =	vst v35  }
0xb8: {  	v35 =	vld.idx.msk [tilespmem:v37+s15+$0x0], $0xffff;
	[tilespmem:s12+$0x180] =	vst v34  }
0xb9: {  	v39 =	vor.u32 $0x5, v3;
	v27 =	vld.idx.msk [tilespmem:v27+s15+$0x0], $0xffff;
	_ =	sdelay $0x3  }
0xba: {  	[tilespmem:s7+$0x200] =	vst v35  }
0xbb: {  	v34 =	vld.idx.msk [tilespmem:v39+s15+$0x0], $0xffff;
	[tilespmem:s12+$0x200] =	vst v27  }
0xbc: {  	v40 =	vor.u32 $0x6, v3;
	v26 =	vld.idx.msk [tilespmem:v26+s15+$0x0], $0xffff;
	_ =	sdelay $0x3  }
0xbd: {  	[tilespmem:s7+$0x280] =	vst v34  }
0xbe: {  	v27 =	vld.idx.msk [tilespmem:v40+s15+$0x0], $0xffff;
	[tilespmem:s12+$0x280] =	vst v26  }
0xbf: {  	v41 =	vor.u32 $0x7, v3;
	v25 =	vld.idx.msk [tilespmem:v25+s15+$0x0], $0xffff;
	_ =	sdelay $0x3  }
0xc0: {  	[tilespmem:s7+$0x300] =	vst v27  }
0xc1: {  	v26 =	vld.idx.msk [tilespmem:v41+s15+$0x0], $0xffff;
	[tilespmem:s12+$0x300] =	vst v25  }
0xc2: {  	v42 =	vor.u32 $0x8, v3;
	v24 =	vld.idx.msk [tilespmem:v24+s15+$0x0], $0xffff;
	_ =	sdelay $0x1  }
0xc3: {  	[tilespmem:s1+$0x380] =	vst v33  }
0xc4: {  	v20 =	vld.idx.msk [tilespmem:v20+s15+$0x0], $0xffff  }
0xc5: {  	v43 =	vld.idx.msk [tilespmem:v36+s15+$0x0], $0xffff;
	[tilespmem:s7+$0x380] =	vst v26  }
0xc6: {  	v44 =	vor.u32 $0x9, v2;
	v25 =	vld.idx.msk [tilespmem:v42+s15+$0x0], $0xffff;
	[tilespmem:s12+$0x380] =	vst v24  }
0xc7: {  	v45 =	vor.u32 $0x9, v3;
	v24 =	vld.idx.msk [tilespmem:v28+s15+$0x0], $0xffff;
	_ =	sdelay $0x1  }
0xc8: {  	[tilespmem:s1+$0x1000] =	vst v20  }
0xc9: {  	[tilespmem:s0+$0x1000] =	vst v43;
	v19 =	vld.idx.msk [tilespmem:v19+s15+$0x0], $0xffff  }
0xca: {  	v27 =	vld.idx.msk [tilespmem:v44+s15+$0x0], $0xffff;
	[tilespmem:s7+$0x1000] =	vst v25  }
0xcb: {  	v46 =	vor.u32 $0xA, v2;
	v25 =	vld.idx.msk [tilespmem:v45+s15+$0x0], $0xffff;
	[tilespmem:s12+$0x1000] =	vst v24  }
0xcc: {  	v47 =	vor.u32 $0xA, v3;
	v23 =	vld.idx.msk [tilespmem:v23+s15+$0x0], $0xffff;
	_ =	sdelay $0x1  }
0xcd: {  	[tilespmem:s1+$0x1080] =	vst v19  }
0xce: {  	v17 =	vld.idx.msk [tilespmem:v17+s15+$0x0], $0xffff;
	[tilespmem:s0+$0x1080] =	vst v27  }
0xcf: {  	v20 =	vld.idx.msk [tilespmem:v46+s15+$0x0], $0xffff;
	[tilespmem:s7+$0x1080] =	vst v25  }
0xd0: {  	v48 =	vor.u32 $0xB, v2;
	v24 =	vld.idx.msk [tilespmem:v47+s15+$0x0], $0xffff;
	[tilespmem:s12+$0x1080] =	vst v23  }
0xd1: {  	v49 =	vor.u32 $0xB, v3;
	v21 =	vld.idx.msk [tilespmem:v21+s15+$0x0], $0xffff  }
0xd2: {  	[tilespmem:s31+$0x1180] =	vst v31  }
0xd3: {  	[tilespmem:s1+$0x1100] =	vst v17  }
0xd4: {  	v16 =	vld.idx.msk [tilespmem:v16+s15+$0x0], $0xffff;
	[tilespmem:s0+$0x1100] =	vst v20  }
0xd5: {  	v19 =	vld.idx.msk [tilespmem:v48+s15+$0x0], $0xffff;
	[tilespmem:s7+$0x1100] =	vst v24  }
0xd6: {  	v50 =	vor.u32 $0xC, v2;
	v51 =	vld.idx.msk [tilespmem:v49+s15+$0x0], $0xffff;
	[tilespmem:s12+$0x1100] =	vst v21  }
0xd7: {  	v52 =	vor.u32 $0xC, v3;
	[tilespmem:s30+$0x1200] =	vst v30;
	v18 =	vld.idx.msk [tilespmem:v18+s15+$0x0], $0xffff  }
0xd8: {  	v13 =	vld.idx.msk [tilespmem:v13+s15+$0x0], $0xffff;
	[tilespmem:s29+$0x1300] =	vst v32  }
0xd9: {  	v53 =	vld.idx.msk [tilespmem:v29+s15+$0x0], $0xffff;
	[tilespmem:s1+$0x1180] =	vst v16  }
0xda: {  	v15 =	vld.idx.msk [tilespmem:v15+s15+$0x0], $0xffff;
	[tilespmem:s0+$0x1180] =	vst v19  }
0xdb: {  	v17 =	vld.idx.msk [tilespmem:v50+s15+$0x0], $0xffff;
	[tilespmem:s7+$0x1180] =	vst v51  }
0xdc: {  	v54 =	vor.u32 $0xD, v2;
	v55 =	vld.idx.msk [tilespmem:v52+s15+$0x0], $0xffff;
	[tilespmem:s12+$0x1180] =	vst v18  }
0xdd: {  	v56 =	vor.u32 $0xD, v3;
	[tilespmem:s31+$0x1200] =	vst v13;
	v18 =	vld.idx.msk [tilespmem:v22+s15+$0x0], $0xffff  }
0xde: {  	v7 =	vld.idx.msk [tilespmem:v7+s15+$0x0], $0xffff;
	[tilespmem:s30+$0x1280] =	vst v53  }
0xdf: {  	v57 =	vor.u32 $0xE, v1;
	v8 =	vld.idx.msk [tilespmem:v8+s15+$0x0], $0xffff;
	[tilespmem:s1+$0x1200] =	vst v15  }
0xe0: {  	v11 =	vld.idx.msk [tilespmem:v11+s15+$0x0], $0xffff;
	[tilespmem:s0+$0x1200] =	vst v17  }
0xe1: {  	v16 =	vld.idx.msk [tilespmem:v54+s15+$0x0], $0xffff;
	[tilespmem:s7+$0x1200] =	vst v55  }
0xe2: {  	v58 =	vor.u32 $0xE, v2;
	v13 =	vld.idx.msk [tilespmem:v56+s15+$0x0], $0xffff;
	[tilespmem:s12+$0x1200] =	vst v18  }
0xe3: {  	v59 =	vor.u32 $0xE, v3;
	[tilespmem:s29+$0x1380] =	vst v7;
	v14 =	vld.idx.msk [tilespmem:v14+s15+$0x0], $0xffff  }
0xe4: {  	v60 =	vld.idx.msk [tilespmem:v57+s15+$0x0], $0xffff;
	[tilespmem:s31+$0x1280] =	vst v8  }
0xe5: {  	v1 =	vor.u32 $0xF, v1;
	v5 =	vld.idx.msk [tilespmem:v5+s15+$0x0], $0xffff;
	[tilespmem:s1+$0x1280] =	vst v11  }
0xe6: {  	v9 =	vld.idx.msk [tilespmem:v9+s15+$0x0], $0xffff;
	[tilespmem:s0+$0x1280] =	vst v16  }
0xe7: {  	v61 =	vld.idx.msk [tilespmem:v58+s15+$0x0], $0xffff;
	[tilespmem:s7+$0x1280] =	vst v13  }
0xe8: {  	v2 =	vor.u32 $0xF, v2;
	v7 =	vld.idx.msk [tilespmem:v59+s15+$0x0], $0xffff;
	[tilespmem:s12+$0x1280] =	vst v14  }
0xe9: {  	v3 =	vor.u32 $0xF, v3;
	[tilespmem:s30+$0x1300] =	vst v60;
	v62 =	vld.idx.msk [tilespmem:v12+s15+$0x0], $0xffff  }
0xea: {  	v1 =	vld.idx.msk [tilespmem:v1+s15+$0x0], $0xffff;
	[tilespmem:s31+$0x1300] =	vst v5  }
0xeb: {  	v4 =	vld.idx.msk [tilespmem:v4+s15+$0x0], $0xffff;
	[tilespmem:s1+$0x1300] =	vst v9  }
0xec: {  	v63 =	vld.idx.msk [tilespmem:v6+s15+$0x0], $0xffff;
	[tilespmem:s0+$0x1300] =	vst v61  }
0xed: {  	v2 =	vld.idx.msk [tilespmem:v2+s15+$0x0], $0xffff;
	[tilespmem:s7+$0x1300] =	vst v7  }
0xee: {  	v3 =	vld.idx.msk [tilespmem:v3+s15+$0x0], $0xffff;
	[tilespmem:s12+$0x1300] =	vst v62  }
0xef: {  	[tilespmem:s30+$0x1380] =	vst v1;
	v1 =	vld.idx.msk [tilespmem:v10+s15+$0x0], $0xffff  }
0xf0: {  	[tilespmem:s31+$0x1380] =	vst v4  }
0xf1: {  	[tilespmem:s1+$0x1380] =	vst v63  }
0xf2: {  	s25 =	sor.u32 s10, s6;
	[tilespmem:s0+$0x1380] =	vst v2  }
0xf3: {  	p1 =	sne.s32 s26, $0x63;
	s29 =	simm.s32 $0x4400;
	s0 =	sshrl.u32 s25, $0x3;
	[tilespmem:s7+$0x1380] =	vst v3  }
.Ltmp3:
0xf4: {  	s30 =	sor.u32 s11, s6;
	s0 =	sadd.s32 s2, s0;
	[tilespmem:s12+$0x1380] =	vst v1;
	(pc) =	sbr.rel @p1 .LBB2_9-.Ltmp3, $4  }
0xf5: {  	[hbm4b:s0+s3] =	stream.linear.scatter [tilespmem:s29], [sflag:$0x4], $0x1000, $0x38;
	[tilespmem:$0x8400] =	vst v63  }
0xf6: {  	s0 =	sshrl.u32 s30, $0x3  }
0xf7: {  	s31 =	simm.s32 $0x5400;
	s0 =	sadd.s32 s2, s0  }
0xf8: {  	[hbm4b:s0+s3] =	stream.linear.scatter [tilespmem:s31], [sflag:$0x4], $0x1000, $0x38;
	[tilespmem:$0x8400] =	vst v63  }
.Ltmp4:
0xf9: {  	(pc) =	sbr.rel .LBB2_10-.Ltmp4, $4  }
0xfa: {  	_ = 	snop  }
0xfb: {  	_ =	swait.ge [sflag:s20], $0x2000  }
0xfc: {  	[sflag:s20] =	ssyncset.done $0x0  }
0xfd: {  	[sflag:s20] =	ssyncadd.s32 $0xFFFFE000  }
.LBB2_9:
0xfe: {  	_ =	swait.ge [sflag:s13], $0x200  }
0xff: {  	[sflag:s13] =	ssyncset.done $0x0  }
0x100: {  	[sflag:s13] =	ssyncadd.s32 $0xFFFFFE00  }
0x101: {  	[tilespmem:s15], [sflag:$0x2] =	stream.indirect.gather [hbm4b:s5+s14], $0x10, s3, s14, $0xb8;
	[tilespmem:$0x8400] =	vst v63  }
0x102: {  	_ =	swait.ge [sflag:s20], $0x2000  }
.Ltmp5:
0x103: {  	s0 =	sshll.u32 s26, $0xF;
	s1 =	rddreg [dreg:$0x5];
	(pc) =	sbr.rel @p0 .LBB2_11-.Ltmp5, $4  }
0x104: {  	s0 =	sadd.s32 s1, s0  }
0x105: {  	[sflag:s20] =	ssyncset.done $0x0;
	s0 =	sshrl.u32 s0, $0x3  }
0x106: {  	[sflag:s20] =	ssyncadd.s32 $0xFFFFE000;
	s0 =	sadd.s32 s4, s0  }
0x107: {  	[tilespmem:s14], [sflag:$0x1] =	stream.linear.gather [hbm4b:s0+s3], $0x200, $0x38;
	[tilespmem:$0x8400] =	vst v63  }
.LBB2_10:
0x108: {  	_ =	swait.ge [sflag:s21], $0x1000  }
0x109: {  	[sflag:s21] =	ssyncset.done $0x0  }
0x10a: {  	[sflag:s21] =	ssyncadd.s32 $0xFFFFF000  }
0x10b: {  	_ =	swait.ge [sflag:s21], $0x1000  }
0x10c: {  	[sflag:s21] =	ssyncset.done $0x0  }
0x10d: {  	[sflag:s21] =	ssyncadd.s32 $0xFFFFF000  }
.LBB2_11:
0x10e: {  	s0 =	simm.s32 $0x0  }
0x10f: {  	v1 =	vmov s0  }
0x110: {  	v1 =	vshll.u32 v1, $0x4  }
0x111: {  	v5 =	vor.u32 v0, v1;
	_ =	sdelay $0x1  }
0x112: {  	s1 =	simm.s32 $0x10  }
0x113: {  	v1 =	vmov s1  }
0x114: {  	v1 =	vshll.u32 v1, $0x4  }
0x115: {  	v4 =	vor.u32 v0, v1;
	v1 =	vld.idx.msk [tilespmem:v5+s16+$0x0], $0xffff  }
0x116: {  	s6 =	simm.s32 $0x0;
	v2 =	vor.u32 $0x1, v5  }
0x117: {  	s6 =	sand.u32 $0xC00, s6  }
0x118: {  	s0 =	sand.u32 $0x60, s0;
	s6 =	sadd.s32 $0x6400, s6  }
0x119: {  	s25 =	sor.u32 s0, s6  }
0x11a: {  	v3 =	vld.idx.msk [tilespmem:v4+s16+$0x0], $0xffff;
	[tilespmem:s25+$0x0] =	vst v1  }
0x11b: {  	v1 =	vor.u32 $0x1, v4;
	v2 =	vld.idx.msk [tilespmem:v2+s16+$0x0], $0xffff  }
0x11c: {  	v6 =	vor.u32 $0x2, v5  }
0x11d: {  	s7 =	sand.u32 $0x70, s1  }
0x11e: {  	s29 =	sor.u32 s7, s6  }
0x11f: {  	[tilespmem:s29+$0x0] =	vst v3  }
0x120: {  	v1 =	vld.idx.msk [tilespmem:v1+s16+$0x0], $0xffff;
	[tilespmem:s25+$0x80] =	vst v2  }
0x121: {  	v2 =	vor.u32 $0x2, v4;
	v3 =	vld.idx.msk [tilespmem:v6+s16+$0x0], $0xffff  }
0x122: {  	v6 =	vor.u32 $0x3, v5;
	_ =	sdelay $0x2  }
0x123: {  	[tilespmem:s29+$0x80] =	vst v1  }
0x124: {  	v1 =	vld.idx.msk [tilespmem:v2+s16+$0x0], $0xffff;
	[tilespmem:s25+$0x100] =	vst v3  }
0x125: {  	v2 =	vor.u32 $0x3, v4;
	v3 =	vld.idx.msk [tilespmem:v6+s16+$0x0], $0xffff  }
0x126: {  	s9 =	simm.s32 $0x20;
	v7 =	vor.u32 $0x4, v5  }
0x127: {  	s12 =	simm.s32 $0x30;
	v6 =	vmov s9  }
0x128: {  	v8 =	vmov s12;
	v6 =	vshll.u32 v6, $0x4  }
0x129: {  	v8 =	vshll.u32 v8, $0x4;
	[tilespmem:s29+$0x100] =	vst v1;
	v1 =	vor.u32 v0, v6  }
0x12a: {  	v6 =	vor.u32 v0, v8;
	v2 =	vld.idx.msk [tilespmem:v2+s16+$0x0], $0xffff;
	[tilespmem:s25+$0x180] =	vst v3  }
0x12b: {  	v3 =	vor.u32 $0x4, v4;
	v7 =	vld.idx.msk [tilespmem:v7+s16+$0x0], $0xffff  }
0x12c: {  	v8 =	vor.u32 $0x5, v5;
	_ =	sdelay $0x1  }
0x12d: {  	v9 =	vld.idx.msk [tilespmem:v1+s16+$0x0], $0xffff  }
0x12e: {  	s18 =	simm.s32 $0x100;
	v10 =	vor.u32 $0x1, v1;
	[tilespmem:s29+$0x180] =	vst v2;
	v2 =	vld.idx.msk [tilespmem:v6+s16+$0x0], $0xffff  }
0x12f: {  	s6 =	sand.u32 $0xC00, s18;
	v11 =	vor.u32 $0x1, v6;
	v3 =	vld.idx.msk [tilespmem:v3+s16+$0x0], $0xffff;
	[tilespmem:s25+$0x200] =	vst v7  }
0x130: {  	s0 =	sand.u32 $0x60, s9;
	s6 =	sadd.s32 $0x6400, s6;
	v7 =	vor.u32 $0x5, v4;
	v8 =	vld.idx.msk [tilespmem:v8+s16+$0x0], $0xffff  }
0x131: {  	s1 =	sand.u32 $0x70, s12;
	v12 =	vor.u32 $0x6, v5;
	s30 =	sor.u32 s0, s6  }
0x132: {  	s31 =	sor.u32 s1, s6;
	[tilespmem:s30+$0x0] =	vst v9  }
0x133: {  	v9 =	vld.idx.msk [tilespmem:v10+s16+$0x0], $0xffff;
	[tilespmem:s31+$0x0] =	vst v2  }
0x134: {  	[tilespmem:s29+$0x200] =	vst v3;
	v2 =	vld.idx.msk [tilespmem:v11+s16+$0x0], $0xffff;
	v3 =	vor.u32 $0x2, v1  }
0x135: {  	v10 =	vor.u32 $0x2, v6;
	v7 =	vld.idx.msk [tilespmem:v7+s16+$0x0], $0xffff;
	[tilespmem:s25+$0x280] =	vst v8  }
0x136: {  	v8 =	vor.u32 $0x6, v4;
	v11 =	vld.idx.msk [tilespmem:v12+s16+$0x0], $0xffff  }
0x137: {  	v12 =	vor.u32 $0x7, v5  }
0x138: {  	[tilespmem:s30+$0x80] =	vst v9  }
0x139: {  	v3 =	vld.idx.msk [tilespmem:v3+s16+$0x0], $0xffff;
	[tilespmem:s31+$0x80] =	vst v2  }
0x13a: {  	[tilespmem:s29+$0x280] =	vst v7;
	v2 =	vld.idx.msk [tilespmem:v10+s16+$0x0], $0xffff;
	v7 =	vor.u32 $0x3, v1  }
0x13b: {  	v9 =	vor.u32 $0x3, v6;
	v8 =	vld.idx.msk [tilespmem:v8+s16+$0x0], $0xffff;
	[tilespmem:s25+$0x300] =	vst v11  }
0x13c: {  	v10 =	vor.u32 $0x7, v4;
	v11 =	vld.idx.msk [tilespmem:v12+s16+$0x0], $0xffff  }
0x13d: {  	v12 =	vor.u32 $0x8, v5  }
0x13e: {  	[tilespmem:s30+$0x100] =	vst v3  }
0x13f: {  	v3 =	vld.idx.msk [tilespmem:v7+s16+$0x0], $0xffff;
	[tilespmem:s31+$0x100] =	vst v2  }
0x140: {  	[tilespmem:s29+$0x300] =	vst v8;
	v7 =	vld.idx.msk [tilespmem:v9+s16+$0x0], $0xffff;
	v8 =	vor.u32 $0x4, v1  }
0x141: {  	s19 =	simm.s32 $0x40;
	v9 =	vor.u32 $0x4, v6;
	v13 =	vld.idx.msk [tilespmem:v10+s16+$0x0], $0xffff;
	[tilespmem:s25+$0x380] =	vst v11  }
0x142: {  	s22 =	simm.s32 $0x50;
	v2 =	vmov s19;
	v11 =	vor.u32 $0x8, v4;
	v12 =	vld.idx.msk [tilespmem:v12+s16+$0x0], $0xffff  }
0x143: {  	v14 =	vor.u32 $0x9, v5;
	v2 =	vshll.u32 v2, $0x4;
	v10 =	vmov s22  }
0x144: {  	v2 =	vor.u32 v0, v2;
	v10 =	vshll.u32 v10, $0x4;
	[tilespmem:s30+$0x180] =	vst v3  }
0x145: {  	v10 =	vor.u32 v0, v10;
	v3 =	vld.idx.msk [tilespmem:v8+s16+$0x0], $0xffff;
	[tilespmem:s31+$0x180] =	vst v7  }
0x146: {  	v8 =	vor.u32 $0x5, v1;
	[tilespmem:s29+$0x380] =	vst v13;
	v7 =	vld.idx.msk [tilespmem:v9+s16+$0x0], $0xffff  }
0x147: {  	v9 =	vor.u32 $0x5, v6;
	v11 =	vld.idx.msk [tilespmem:v11+s16+$0x0], $0xffff;
	[tilespmem:s25+$0x1000] =	vst v12  }
0x148: {  	v12 =	vor.u32 $0x9, v4;
	v13 =	vld.idx.msk [tilespmem:v14+s16+$0x0], $0xffff  }
0x149: {  	v15 =	vor.u32 $0xA, v5;
	v14 =	vld.idx.msk [tilespmem:v2+s16+$0x0], $0xffff  }
0x14a: {  	s23 =	simm.s32 $0x200;
	v17 =	vor.u32 $0x1, v2;
	v16 =	vld.idx.msk [tilespmem:v10+s16+$0x0], $0xffff;
	[tilespmem:s30+$0x200] =	vst v3  }
0x14b: {  	s6 =	sand.u32 $0xC00, s23;
	v3 =	vor.u32 $0x1, v10;
	v8 =	vld.idx.msk [tilespmem:v8+s16+$0x0], $0xffff;
	[tilespmem:s31+$0x200] =	vst v7  }
0x14c: {  	s0 =	sand.u32 $0x60, s19;
	s6 =	sadd.s32 $0x6400, s6;
	[tilespmem:s29+$0x1000] =	vst v11;
	v7 =	vld.idx.msk [tilespmem:v9+s16+$0x0], $0xffff;
	v9 =	vor.u32 $0x6, v1  }
0x14d: {  	s1 =	sand.u32 $0x70, s22;
	s0 =	sor.u32 s0, s6;
	v11 =	vor.u32 $0x6, v6;
	v12 =	vld.idx.msk [tilespmem:v12+s16+$0x0], $0xffff;
	[tilespmem:s25+$0x1080] =	vst v13  }
0x14e: {  	s1 =	sor.u32 s1, s6;
	v13 =	vor.u32 $0xA, v4;
	[tilespmem:s0+$0x0] =	vst v14;
	v14 =	vld.idx.msk [tilespmem:v15+s16+$0x0], $0xffff  }
0x14f: {  	[tilespmem:s1+$0x0] =	vst v16;
	v16 =	vor.u32 $0xB, v5;
	v15 =	vld.idx.msk [tilespmem:v17+s16+$0x0], $0xffff  }
0x150: {  	v3 =	vld.idx.msk [tilespmem:v3+s16+$0x0], $0xffff;
	v17 =	vor.u32 $0x2, v2;
	[tilespmem:s30+$0x280] =	vst v8  }
0x151: {  	v8 =	vor.u32 $0x2, v10;
	v9 =	vld.idx.msk [tilespmem:v9+s16+$0x0], $0xffff;
	[tilespmem:s31+$0x280] =	vst v7  }
0x152: {  	v7 =	vld.idx.msk [tilespmem:v11+s16+$0x0], $0xffff;
	[tilespmem:s29+$0x1080] =	vst v12;
	v11 =	vor.u32 $0x7, v1  }
0x153: {  	v12 =	vor.u32 $0x7, v6;
	v13 =	vld.idx.msk [tilespmem:v13+s16+$0x0], $0xffff;
	[tilespmem:s25+$0x1100] =	vst v14  }
0x154: {  	v14 =	vor.u32 $0xB, v4;
	[tilespmem:s0+$0x80] =	vst v15;
	v15 =	vld.idx.msk [tilespmem:v16+s16+$0x0], $0xffff  }
0x155: {  	s9 =	simm.s32 $0x70;
	[tilespmem:s1+$0x80] =	vst v3;
	v3 =	vor.u32 $0xC, v5;
	v16 =	vld.idx.msk [tilespmem:v17+s16+$0x0], $0xffff  }
0x156: {  	v18 =	vmov s9;
	v8 =	vld.idx.msk [tilespmem:v8+s16+$0x0], $0xffff;
	v17 =	vor.u32 $0x3, v2;
	[tilespmem:s30+$0x300] =	vst v9  }
0x157: {  	v18 =	vshll.u32 v18, $0x4;
	v9 =	vor.u32 $0x3, v10;
	v11 =	vld.idx.msk [tilespmem:v11+s16+$0x0], $0xffff;
	[tilespmem:s31+$0x300] =	vst v7  }
0x158: {  	v29 =	vor.u32 v0, v18;
	v7 =	vld.idx.msk [tilespmem:v12+s16+$0x0], $0xffff;
	[tilespmem:s29+$0x1100] =	vst v13  }
0x159: {  	v12 =	vor.u32 $0x8, v1;
	v14 =	vld.idx.msk [tilespmem:v14+s16+$0x0], $0xffff;
	[tilespmem:s25+$0x1180] =	vst v15  }
0x15a: {  	v13 =	vor.u32 $0x8, v6;
	[tilespmem:s0+$0x100] =	vst v16;
	v3 =	vld.idx.msk [tilespmem:v3+s16+$0x0], $0xffff  }
0x15b: {  	[tilespmem:s1+$0x100] =	vst v8;
	v8 =	vor.u32 $0xD, v5;
	v16 =	vld.idx.msk [tilespmem:v17+s16+$0x0], $0xffff  }
0x15c: {  	v9 =	vld.idx.msk [tilespmem:v9+s16+$0x0], $0xffff;
	v17 =	vor.u32 $0x4, v2;
	[tilespmem:s30+$0x380] =	vst v11  }
0x15d: {  	s7 =	simm.s32 $0x60;
	v18 =	vld.idx.msk [tilespmem:v29+s16+$0x0], $0xffff;
	v11 =	vor.u32 $0x4, v10;
	[tilespmem:s31+$0x380] =	vst v7  }
0x15e: {  	v15 =	vor.u32 $0xC, v4;
	v12 =	vld.idx.msk [tilespmem:v12+s16+$0x0], $0xffff;
	v7 =	vmov s7;
	[tilespmem:s29+$0x1180] =	vst v14  }
0x15f: {  	v13 =	vld.idx.msk [tilespmem:v13+s16+$0x0], $0xffff;
	v7 =	vshll.u32 v7, $0x4;
	v14 =	vor.u32 $0x9, v1;
	[tilespmem:s25+$0x1200] =	vst v3  }
0x160: {  	v3 =	vor.u32 v0, v7;
	[tilespmem:s0+$0x180] =	vst v16;
	v7 =	vld.idx.msk [tilespmem:v8+s16+$0x0], $0xffff  }
0x161: {  	[tilespmem:s1+$0x180] =	vst v9;
	v9 =	vor.u32 $0xE, v5;
	v8 =	vld.idx.msk [tilespmem:v17+s16+$0x0], $0xffff  }
0x162: {  	v16 =	vor.u32 $0x5, v2;
	v11 =	vld.idx.msk [tilespmem:v11+s16+$0x0], $0xffff  }
0x163: {  	v15 =	vld.idx.msk [tilespmem:v15+s16+$0x0], $0xffff;
	[tilespmem:s30+$0x1000] =	vst v12;
	v12 =	vor.u32 $0x5, v10  }
0x164: {  	v17 =	vor.u32 $0x9, v6;
	v14 =	vld.idx.msk [tilespmem:v14+s16+$0x0], $0xffff;
	[tilespmem:s31+$0x1000] =	vst v13  }
0x165: {  	v19 =	vor.u32 $0xA, v1;
	v13 =	vld.idx.msk [tilespmem:v3+s16+$0x0], $0xffff;
	[tilespmem:s25+$0x1280] =	vst v7  }
0x166: {  	s6 =	simm.s32 $0x300;
	v7 =	vor.u32 $0x1, v3;
	[tilespmem:s0+$0x200] =	vst v8;
	v8 =	vld.idx.msk [tilespmem:v9+s16+$0x0], $0xffff  }
0x167: {  	s12 =	sand.u32 $0xC00, s6;
	[tilespmem:s1+$0x200] =	vst v11;
	v9 =	vor.u32 $0x1, v29;
	v16 =	vld.idx.msk [tilespmem:v16+s16+$0x0], $0xffff  }
0x168: {  	s12 =	sadd.s32 $0x6400, s12;
	s7 =	sand.u32 $0x60, s7;
	v5 =	vor.u32 $0xF, v5;
	[tilespmem:s29+$0x1200] =	vst v15;
	v11 =	vld.idx.msk [tilespmem:v12+s16+$0x0], $0xffff  }
0x169: {  	s9 =	sand.u32 $0x70, s9;
	s7 =	sor.u32 s7, s12;
	v12 =	vor.u32 $0x6, v2;
	[tilespmem:s30+$0x1080] =	vst v14;
	v14 =	vld.idx.msk [tilespmem:v17+s16+$0x0], $0xffff  }
0x16a: {  	s12 =	sor.u32 s9, s12;
	v15 =	vor.u32 $0x6, v10;
	[tilespmem:s7+$0x0] =	vst v13;
	v13 =	vld.idx.msk [tilespmem:v19+s16+$0x0], $0xffff  }
0x16b: {  	[tilespmem:s12+$0x0] =	vst v18;
	v17 =	vor.u32 $0xA, v6;
	v19 =	vld.idx.msk [tilespmem:v7+s16+$0x0], $0xffff  }
0x16c: {  	v20 =	vor.u32 $0x2, v3;
	v9 =	vld.idx.msk [tilespmem:v9+s16+$0x0], $0xffff;
	[tilespmem:s25+$0x1300] =	vst v8  }
0x16d: {  	v18 =	vor.u32 $0xB, v1;
	[tilespmem:s0+$0x280] =	vst v16;
	v16 =	vld.idx.msk [tilespmem:v5+s16+$0x0], $0xffff  }
0x16e: {  	[tilespmem:s1+$0x280] =	vst v11;
	v11 =	vor.u32 $0xD, v4;
	v12 =	vld.idx.msk [tilespmem:v12+s16+$0x0], $0xffff  }
0x16f: {  	v31 =	vor.u32 $0xE, v4;
	v21 =	vor.u32 $0x2, v29;
	v22 =	vld.idx.msk [tilespmem:v15+s16+$0x0], $0xffff;
	[tilespmem:s31+$0x1080] =	vst v14  }
0x170: {  	v24 =	vor.u32 $0xB, v6;
	v38 =	vor.u32 $0x3, v29;
	v14 =	vor.u32 $0x7, v2;
	v23 =	vld.idx.msk [tilespmem:v17+s16+$0x0], $0xffff;
	[tilespmem:s7+$0x80] =	vst v19  }
0x171: {  	v27 =	vor.u32 $0x4, v29;
	v26 =	vor.u32 $0x5, v29;
	v25 =	vor.u32 $0x7, v10;
	[tilespmem:s30+$0x1100] =	vst v13;
	v30 =	vld.idx.msk [tilespmem:v20+s16+$0x0], $0xffff  }
0x172: {  	v28 =	vor.u32 $0x8, v29;
	v35 =	vor.u32 $0x3, v3;
	v7 =	vor.u32 $0xF, v4;
	v18 =	vld.idx.msk [tilespmem:v18+s16+$0x0], $0xffff;
	[tilespmem:s12+$0x80] =	vst v9  }
0x173: {  	v8 =	vor.u32 $0xD, v6;
	v4 =	vor.u32 $0xF, v6;
	v5 =	vor.u32 $0xE, v6;
	v37 =	vld.idx.msk [tilespmem:v11+s16+$0x0], $0xffff;
	[tilespmem:s25+$0x1380] =	vst v16  }
0x174: {  	v15 =	vor.u32 $0xC, v10;
	v17 =	vor.u32 $0xA, v10;
	v34 =	vld.idx.msk [tilespmem:v21+s16+$0x0], $0xffff;
	v21 =	vor.u32 $0xC, v1;
	[tilespmem:s0+$0x300] =	vst v12  }
0x175: {  	v13 =	vor.u32 $0xC, v6;
	v6 =	vor.u32 $0xF, v10;
	v19 =	vor.u32 $0x9, v10;
	[tilespmem:s1+$0x300] =	vst v22;
	v39 =	vld.idx.msk [tilespmem:v14+s16+$0x0], $0xffff  }
0x176: {  	v20 =	vor.u32 $0x8, v10;
	v11 =	vor.u32 $0xD, v10;
	v9 =	vor.u32 $0xE, v10;
	v33 =	vld.idx.msk [tilespmem:v25+s16+$0x0], $0xffff;
	[tilespmem:s7+$0x100] =	vst v30  }
0x177: {  	v16 =	vor.u32 $0xB, v10;
	v22 =	vor.u32 $0xC, v29;
	[tilespmem:s31+$0x1100] =	vst v23;
	v36 =	vld.idx.msk [tilespmem:v35+s16+$0x0], $0xffff;
	v35 =	vor.u32 $0x8, v2  }
0x178: {  	v12 =	vor.u32 $0xE, v29;
	v10 =	vor.u32 $0xF, v29;
	v25 =	vor.u32 $0x6, v29;
	v32 =	vld.idx.msk [tilespmem:v24+s16+$0x0], $0xffff;
	[tilespmem:s30+$0x1180] =	vst v18  }
0x179: {  	v23 =	vor.u32 $0x9, v29;
	v14 =	vor.u32 $0xD, v29;
	v24 =	vor.u32 $0x7, v29;
	[tilespmem:s29+$0x1280] =	vst v37;
	v30 =	vld.idx.msk [tilespmem:v21+s16+$0x0], $0xffff  }
0x17a: {  	v18 =	vor.u32 $0xB, v29;
	v21 =	vor.u32 $0xA, v29;
	[tilespmem:s12+$0x100] =	vst v34;
	v29 =	vor.u32 $0xD, v1;
	v31 =	vld.idx.msk [tilespmem:v31+s16+$0x0], $0xffff  }
0x17b: {  	s18 =	simm.s32 $0x90;
	s9 =	simm.s32 $0x6;
	v37 =	vor.u32 $0x4, v3;
	v34 =	vld.idx.msk [tilespmem:v38+s16+$0x0], $0xffff;
	[tilespmem:s0+$0x380] =	vst v39  }
.LBB2_12:
0x17c: {  	s22 =	sadd.s32 $0xFFFFFFF0, s18;
	v38 =	vmov s18;
	s19 =	sand.u32 $0x70, s18;
	s9 =	sadd.s32 $0x2, s9;
	v35 =	vld.idx.msk [tilespmem:v35+s16+$0x0], $0xffff;
	[tilespmem:s1+$0x380] =	vst v33  }
0x17d: {  	v33 =	vmov s22;
	v38 =	vshll.u32 v38, $0x4;
	p0 =	slt.u32 s9, $0x1E;
	v39 =	vld.idx.msk [tilespmem:v20+s16+$0x0], $0xffff;
	[tilespmem:s31+$0x1180] =	vst v32;
	v20 =	vmov v28  }
0x17e: {  	v28 =	vshll.u32 v33, $0x4;
	v32 =	vor.u32 v0, v38;
	v33 =	vor.u32 $0x9, v2;
	[tilespmem:s30+$0x1200] =	vst v30;
	v30 =	vld.idx.msk [tilespmem:v13+s16+$0x0], $0xffff;
	v13 =	vmovc v15  }
0x17f: {  	v15 =	vmovc v22;
	v38 =	vor.u32 v0, v28;
	v40 =	vor.u32 $0x1, v32;
	v41 =	vor.u32 $0x2, v32;
	[tilespmem:s7+$0x180] =	vst v36;
	v36 =	vld.idx.msk [tilespmem:v29+s16+$0x0], $0xffff  }
0x180: {  	v29 =	vor.u32 $0x3, v32;
	v22 =	vor.u32 $0x4, v32;
	v42 =	vor.u32 $0x5, v32;
	v37 =	vld.idx.msk [tilespmem:v37+s16+$0x0], $0xffff;
	[tilespmem:s12+$0x180] =	vst v34  }
0x181: {  	v45 =	vor.u32 $0xE, v1;
	v43 =	vor.u32 $0x7, v32;
	v34 =	vor.u32 $0x6, v32;
	v44 =	vld.idx.msk [tilespmem:v27+s16+$0x0], $0xffff;
	[tilespmem:s29+$0x1300] =	vst v31;
	v27 =	vmovc v22  }
0x182: {  	v46 =	vor.u32 $0x5, v3;
	v28 =	vor.u32 $0x8, v32;
	v31 =	vor.u32 $0x9, v32;
	[tilespmem:s0+$0x1000] =	vst v35;
	v35 =	vld.idx.msk [tilespmem:v7+s16+$0x0], $0xffff;
	v7 =	vmovc v4;
	v4 =	vmovc v6  }
0x183: {  	v47 =	vor.u32 $0xA, v32;
	v48 =	vor.u32 $0xB, v32;
	v22 =	vor.u32 $0xC, v32;
	v6 =	vmovc v10;
	v33 =	vld.idx.msk [tilespmem:v33+s16+$0x0], $0xffff;
	[tilespmem:s1+$0x1000] =	vst v39  }
0x184: {  	v49 =	vor.u32 $0xD, v32;
	v50 =	vor.u32 $0xE, v32;
	v10 =	vor.u32 $0xF, v32;
	v39 =	vld.idx.msk [tilespmem:v38+s16+$0x0], $0xffff;
	[tilespmem:s31+$0x1200] =	vst v30  }
0x185: {  	v30 =	vld.idx.msk [tilespmem:v32+s16+$0x0], $0xffff;
	v32 =	vor.u32 $0xA, v2;
	[tilespmem:s30+$0x1280] =	vst v36  }
0x186: {  	s6 =	sadd.s32 $0x100, s6;
	v36 =	vor.u32 $0x1, v38;
	[tilespmem:s7+$0x200] =	vst v37;
	v37 =	vld.idx.msk [tilespmem:v45+s16+$0x0], $0xffff  }
0x187: {  	s23 =	sand.u32 $0xC00, s6;
	v45 =	vld.idx.msk [tilespmem:v46+s16+$0x0], $0xffff;
	[tilespmem:s12+$0x200] =	vst v44  }
0x188: {  	s22 =	sand.u32 $0x60, s22;
	s23 =	sadd.s32 $0x6400, s23;
	v46 =	vor.u32 $0xF, v1;
	v1 =	vmovc v2;
	v2 =	vmovc v3;
	v3 =	vmov v38;
	v44 =	vld.idx.msk [tilespmem:v26+s16+$0x0], $0xffff;
	[tilespmem:s29+$0x1380] =	vst v35;
	v26 =	vmov v42;
	s29 =	smov.u32 s31  }
0x189: {  	s22 =	sor.u32 s22, s23;
	s19 =	sor.u32 s19, s23;
	v35 =	vor.u32 $0x6, v2;
	s31 =	smov.u32 s1;
	[tilespmem:s0+$0x1080] =	vst v33;
	v33 =	vld.idx.msk [tilespmem:v19+s16+$0x0], $0xffff;
	v19 =	vmov v23;
	v23 =	vmov v31  }
0x18a: {  	s1 =	smov.u32 s12;
	s12 =	smov.u32 s19;
	[tilespmem:s22+$0x0] =	vst v39;
	v31 =	vld.idx.msk [tilespmem:v32+s16+$0x0], $0xffff  }
0x18b: {  	v32 =	vld.idx.msk [tilespmem:v36+s16+$0x0], $0xffff;
	[tilespmem:s12+$0x0] =	vst v30  }
0x18c: {  	v36 =	vor.u32 $0xB, v1;
	v30 =	vld.idx.msk [tilespmem:v40+s16+$0x0], $0xffff;
	[tilespmem:s30+$0x1300] =	vst v37  }
0x18d: {  	v37 =	vor.u32 $0x2, v3;
	[tilespmem:s7+$0x280] =	vst v45;
	v38 =	vld.idx.msk [tilespmem:v46+s16+$0x0], $0xffff  }
0x18e: {  	v35 =	vld.idx.msk [tilespmem:v35+s16+$0x0], $0xffff;
	[tilespmem:s1+$0x280] =	vst v44  }
0x18f: {  	v39 =	vld.idx.msk [tilespmem:v25+s16+$0x0], $0xffff;
	[tilespmem:s31+$0x1080] =	vst v33;
	v25 =	vmov v34  }
0x190: {  	v33 =	vor.u32 $0x7, v2;
	[tilespmem:s0+$0x1100] =	vst v31;
	v31 =	vld.idx.msk [tilespmem:v17+s16+$0x0], $0xffff;
	v17 =	vmov v21;
	v21 =	vmov v47  }
0x191: {  	[tilespmem:s22+$0x80] =	vst v32;
	v32 =	vld.idx.msk [tilespmem:v36+s16+$0x0], $0xffff  }
0x192: {  	v34 =	vld.idx.msk [tilespmem:v37+s16+$0x0], $0xffff;
	[tilespmem:s12+$0x80] =	vst v30  }
0x193: {  	v30 =	vor.u32 $0xC, v1;
	v37 =	vld.idx.msk [tilespmem:v41+s16+$0x0], $0xffff;
	[tilespmem:s30+$0x1380] =	vst v38;
	s30 =	smov.u32 s0;
	s0 =	smov.u32 s7;
	s7 =	smov.u32 s22  }
0x194: {  	v36 =	vor.u32 $0x3, v3;
	[tilespmem:s0+$0x300] =	vst v35;
	v38 =	vld.idx.msk [tilespmem:v8+s16+$0x0], $0xffff;
	v8 =	vmovc v11;
	v11 =	vmov v14;
	v14 =	vmov v49  }
0x195: {  	v40 =	vld.idx.msk [tilespmem:v33+s16+$0x0], $0xffff;
	[tilespmem:s1+$0x300] =	vst v39  }
0x196: {  	v33 =	vld.idx.msk [tilespmem:v24+s16+$0x0], $0xffff;
	[tilespmem:s31+$0x1100] =	vst v31;
	v24 =	vmov v43  }
.Ltmp6:
0x197: {  	v35 =	vor.u32 $0x8, v2;
	[tilespmem:s30+$0x1180] =	vst v32;
	v32 =	vld.idx.msk [tilespmem:v16+s16+$0x0], $0xffff;
	v16 =	vmov v18;
	v18 =	vmov v48;
	(pc) =	sbr.rel @p0 .LBB2_12-.Ltmp6, $4  }
0x198: {  	[tilespmem:s7+$0x100] =	vst v34;
	v30 =	vld.idx.msk [tilespmem:v30+s16+$0x0], $0xffff  }
0x199: {  	v36 =	vld.idx.msk [tilespmem:v36+s16+$0x0], $0xffff;
	[tilespmem:s12+$0x100] =	vst v37  }
0x19a: {  	v34 =	vld.idx.msk [tilespmem:v29+s16+$0x0], $0xffff;
	v29 =	vor.u32 $0xD, v1;
	[tilespmem:s29+$0x1280] =	vst v38  }
0x19b: {  	s18 =	sadd.s32 $0x20, s18;
	v37 =	vor.u32 $0x4, v3;
	[tilespmem:s0+$0x380] =	vst v40;
	v31 =	vld.idx.msk [tilespmem:v5+s16+$0x0], $0xffff;
	v5 =	vmovc v9;
	v9 =	vmov v12;
	v12 =	vmov v50  }
0x19c: {  	_ =	sdelay $0x2  }
0x19d: {  	[tilespmem:s7+$0x180] =	vst v36  }
0x19e: {  	v36 =	vld.idx.msk [tilespmem:v37+s16+$0x0], $0xffff;
	[tilespmem:s12+$0x180] =	vst v34  }
0x19f: {  	v39 =	vor.u32 $0x5, v3;
	v27 =	vld.idx.msk [tilespmem:v27+s16+$0x0], $0xffff;
	_ =	sdelay $0x3  }
0x1a0: {  	[tilespmem:s7+$0x200] =	vst v36  }
0x1a1: {  	v34 =	vld.idx.msk [tilespmem:v39+s16+$0x0], $0xffff;
	[tilespmem:s12+$0x200] =	vst v27  }
0x1a2: {  	v40 =	vor.u32 $0x6, v3;
	v26 =	vld.idx.msk [tilespmem:v26+s16+$0x0], $0xffff;
	_ =	sdelay $0x3  }
0x1a3: {  	[tilespmem:s7+$0x280] =	vst v34  }
0x1a4: {  	v27 =	vld.idx.msk [tilespmem:v40+s16+$0x0], $0xffff;
	[tilespmem:s12+$0x280] =	vst v26  }
0x1a5: {  	v41 =	vor.u32 $0x7, v3;
	v25 =	vld.idx.msk [tilespmem:v25+s16+$0x0], $0xffff;
	_ =	sdelay $0x3  }
0x1a6: {  	[tilespmem:s7+$0x300] =	vst v27  }
0x1a7: {  	v26 =	vld.idx.msk [tilespmem:v41+s16+$0x0], $0xffff;
	[tilespmem:s12+$0x300] =	vst v25  }
0x1a8: {  	v42 =	vor.u32 $0x8, v3;
	v24 =	vld.idx.msk [tilespmem:v24+s16+$0x0], $0xffff;
	_ =	sdelay $0x1  }
0x1a9: {  	[tilespmem:s1+$0x380] =	vst v33  }
0x1aa: {  	v20 =	vld.idx.msk [tilespmem:v20+s16+$0x0], $0xffff  }
0x1ab: {  	v43 =	vld.idx.msk [tilespmem:v35+s16+$0x0], $0xffff;
	[tilespmem:s7+$0x380] =	vst v26  }
0x1ac: {  	v44 =	vor.u32 $0x9, v2;
	v25 =	vld.idx.msk [tilespmem:v42+s16+$0x0], $0xffff;
	[tilespmem:s12+$0x380] =	vst v24  }
0x1ad: {  	v45 =	vor.u32 $0x9, v3;
	v24 =	vld.idx.msk [tilespmem:v28+s16+$0x0], $0xffff;
	_ =	sdelay $0x1  }
0x1ae: {  	[tilespmem:s1+$0x1000] =	vst v20  }
0x1af: {  	[tilespmem:s0+$0x1000] =	vst v43;
	v19 =	vld.idx.msk [tilespmem:v19+s16+$0x0], $0xffff  }
0x1b0: {  	v27 =	vld.idx.msk [tilespmem:v44+s16+$0x0], $0xffff;
	[tilespmem:s7+$0x1000] =	vst v25  }
0x1b1: {  	v46 =	vor.u32 $0xA, v2;
	v25 =	vld.idx.msk [tilespmem:v45+s16+$0x0], $0xffff;
	[tilespmem:s12+$0x1000] =	vst v24  }
0x1b2: {  	v47 =	vor.u32 $0xA, v3;
	v23 =	vld.idx.msk [tilespmem:v23+s16+$0x0], $0xffff;
	_ =	sdelay $0x1  }
0x1b3: {  	[tilespmem:s1+$0x1080] =	vst v19  }
0x1b4: {  	v17 =	vld.idx.msk [tilespmem:v17+s16+$0x0], $0xffff;
	[tilespmem:s0+$0x1080] =	vst v27  }
0x1b5: {  	v20 =	vld.idx.msk [tilespmem:v46+s16+$0x0], $0xffff;
	[tilespmem:s7+$0x1080] =	vst v25  }
0x1b6: {  	v48 =	vor.u32 $0xB, v2;
	v24 =	vld.idx.msk [tilespmem:v47+s16+$0x0], $0xffff;
	[tilespmem:s12+$0x1080] =	vst v23  }
0x1b7: {  	v49 =	vor.u32 $0xB, v3;
	v21 =	vld.idx.msk [tilespmem:v21+s16+$0x0], $0xffff  }
0x1b8: {  	[tilespmem:s31+$0x1180] =	vst v32  }
0x1b9: {  	[tilespmem:s1+$0x1100] =	vst v17  }
0x1ba: {  	v16 =	vld.idx.msk [tilespmem:v16+s16+$0x0], $0xffff;
	[tilespmem:s0+$0x1100] =	vst v20  }
0x1bb: {  	v19 =	vld.idx.msk [tilespmem:v48+s16+$0x0], $0xffff;
	[tilespmem:s7+$0x1100] =	vst v24  }
0x1bc: {  	v50 =	vor.u32 $0xC, v2;
	v51 =	vld.idx.msk [tilespmem:v49+s16+$0x0], $0xffff;
	[tilespmem:s12+$0x1100] =	vst v21  }
0x1bd: {  	v52 =	vor.u32 $0xC, v3;
	[tilespmem:s30+$0x1200] =	vst v30;
	v18 =	vld.idx.msk [tilespmem:v18+s16+$0x0], $0xffff  }
0x1be: {  	v13 =	vld.idx.msk [tilespmem:v13+s16+$0x0], $0xffff;
	[tilespmem:s29+$0x1300] =	vst v31  }
0x1bf: {  	v53 =	vld.idx.msk [tilespmem:v29+s16+$0x0], $0xffff;
	[tilespmem:s1+$0x1180] =	vst v16  }
0x1c0: {  	v15 =	vld.idx.msk [tilespmem:v15+s16+$0x0], $0xffff;
	[tilespmem:s0+$0x1180] =	vst v19  }
0x1c1: {  	v17 =	vld.idx.msk [tilespmem:v50+s16+$0x0], $0xffff;
	[tilespmem:s7+$0x1180] =	vst v51  }
0x1c2: {  	v54 =	vor.u32 $0xD, v2;
	v55 =	vld.idx.msk [tilespmem:v52+s16+$0x0], $0xffff;
	[tilespmem:s12+$0x1180] =	vst v18  }
0x1c3: {  	v56 =	vor.u32 $0xD, v3;
	[tilespmem:s31+$0x1200] =	vst v13;
	v18 =	vld.idx.msk [tilespmem:v22+s16+$0x0], $0xffff  }
0x1c4: {  	v7 =	vld.idx.msk [tilespmem:v7+s16+$0x0], $0xffff;
	[tilespmem:s30+$0x1280] =	vst v53  }
0x1c5: {  	v57 =	vor.u32 $0xE, v1;
	v8 =	vld.idx.msk [tilespmem:v8+s16+$0x0], $0xffff;
	[tilespmem:s1+$0x1200] =	vst v15  }
0x1c6: {  	v11 =	vld.idx.msk [tilespmem:v11+s16+$0x0], $0xffff;
	[tilespmem:s0+$0x1200] =	vst v17  }
0x1c7: {  	v16 =	vld.idx.msk [tilespmem:v54+s16+$0x0], $0xffff;
	[tilespmem:s7+$0x1200] =	vst v55  }
0x1c8: {  	v58 =	vor.u32 $0xE, v2;
	v13 =	vld.idx.msk [tilespmem:v56+s16+$0x0], $0xffff;
	[tilespmem:s12+$0x1200] =	vst v18  }
0x1c9: {  	v59 =	vor.u32 $0xE, v3;
	[tilespmem:s29+$0x1380] =	vst v7;
	v14 =	vld.idx.msk [tilespmem:v14+s16+$0x0], $0xffff  }
0x1ca: {  	v60 =	vld.idx.msk [tilespmem:v57+s16+$0x0], $0xffff;
	[tilespmem:s31+$0x1280] =	vst v8  }
0x1cb: {  	v1 =	vor.u32 $0xF, v1;
	v5 =	vld.idx.msk [tilespmem:v5+s16+$0x0], $0xffff;
	[tilespmem:s1+$0x1280] =	vst v11  }
0x1cc: {  	v9 =	vld.idx.msk [tilespmem:v9+s16+$0x0], $0xffff;
	[tilespmem:s0+$0x1280] =	vst v16  }
0x1cd: {  	v61 =	vld.idx.msk [tilespmem:v58+s16+$0x0], $0xffff;
	[tilespmem:s7+$0x1280] =	vst v13  }
0x1ce: {  	v2 =	vor.u32 $0xF, v2;
	v7 =	vld.idx.msk [tilespmem:v59+s16+$0x0], $0xffff;
	[tilespmem:s12+$0x1280] =	vst v14  }
0x1cf: {  	v3 =	vor.u32 $0xF, v3;
	[tilespmem:s30+$0x1300] =	vst v60;
	v62 =	vld.idx.msk [tilespmem:v12+s16+$0x0], $0xffff  }
0x1d0: {  	v1 =	vld.idx.msk [tilespmem:v1+s16+$0x0], $0xffff;
	[tilespmem:s31+$0x1300] =	vst v5  }
0x1d1: {  	v4 =	vld.idx.msk [tilespmem:v4+s16+$0x0], $0xffff;
	[tilespmem:s1+$0x1300] =	vst v9  }
0x1d2: {  	v63 =	vld.idx.msk [tilespmem:v6+s16+$0x0], $0xffff;
	[tilespmem:s0+$0x1300] =	vst v61  }
0x1d3: {  	v2 =	vld.idx.msk [tilespmem:v2+s16+$0x0], $0xffff;
	[tilespmem:s7+$0x1300] =	vst v7  }
0x1d4: {  	v3 =	vld.idx.msk [tilespmem:v3+s16+$0x0], $0xffff;
	[tilespmem:s12+$0x1300] =	vst v62  }
0x1d5: {  	[tilespmem:s30+$0x1380] =	vst v1;
	v1 =	vld.idx.msk [tilespmem:v10+s16+$0x0], $0xffff  }
0x1d6: {  	[tilespmem:s31+$0x1380] =	vst v4  }
0x1d7: {  	[tilespmem:s1+$0x1380] =	vst v63  }
0x1d8: {  	s25 =	sor.u32 s10, s28;
	s26 =	sadd.s32 $0x1, s26;
	[tilespmem:s0+$0x1380] =	vst v2  }
0x1d9: {  	p0 =	sne.s32 s26, $0x64;
	s29 =	simm.s32 $0x6400;
	s0 =	sshrl.u32 s25, $0x3;
	[tilespmem:s7+$0x1380] =	vst v3  }
.Ltmp7:
0x1da: {  	s30 =	sor.u32 s11, s28;
	s0 =	sadd.s32 s2, s0;
	[tilespmem:s12+$0x1380] =	vst v1;
	(pc) =	sbr.rel @p0 .LBB2_2-.Ltmp7, $4  }
0x1db: {  	[hbm4b:s0+s3] =	stream.linear.scatter [tilespmem:s29], [sflag:$0x5], $0x1000, $0x38;
	[tilespmem:$0x8400] =	vst v63  }
0x1dc: {  	s0 =	sshrl.u32 s30, $0x3  }
0x1dd: {  	s31 =	simm.s32 $0x7400;
	s0 =	sadd.s32 s2, s0  }
0x1de: {  	[hbm4b:s0+s3] =	stream.linear.scatter [tilespmem:s31], [sflag:$0x5], $0x1000, $0x38;
	[tilespmem:$0x8400] =	vst v63  }
0x1df: {  	_ =	swait.ge [sflag:s24], $0x1000  }
0x1e0: {  	[sflag:s24] =	ssyncset.done $0x0  }
0x1e1: {  	[sflag:s24] =	ssyncadd.s32 $0xFFFFF000  }
0x1e2: {  	_ =	swait.ge [sflag:s24], $0x1000  }
0x1e3: {  	[sflag:s24] =	ssyncset.done $0x0  }
0x1e4: {  	[sflag:s24] =	ssyncadd.s32 $0xFFFFF000  }
0x1e5: {  	_ =	swait.ge [sflag:s21], $0x1000  }
0x1e6: {  	[sflag:s21] =	ssyncset.done $0x0  }
0x1e7: {  	[sflag:s21] =	ssyncadd.s32 $0xFFFFF000  }
0x1e8: {  	_ =	swait.ge [sflag:s21], $0x1000  }
0x1e9: {  	s1 =	rddreg [dreg:$0x7]  }
0x1ea: {  	s0 =	rddreg [dreg:$0x6];
	s1 =	sadd.s32 $0x1, s1  }
0x1eb: {  	p0 =	sne.s32 s1, s0  }
.Ltmp8:
0x1ec: {  	_ = 	snop;
	(pc) =	sbr.rel @p0 .LBB2_1-.Ltmp8, $3  }
0x1ed: {  	_ =	sdelay $0x1  }
0x1ee: {  	[sflag:s21] =	ssyncset.done $0x0  }
0x1ef: {  	[sflag:s21] =	ssyncadd.s32 $0xFFFFF000  }
0x1f0: {  	_ =	sfence.sel $0x180000  }
0x1f1: {  	[bflag:$0x0] =	sbarrier.arrive $0xFFFF  }
0x1f2: {  	_ =	strace $0x90000047  }
0x1f3: {  	s0 =	stileid.u32;
	[bflag:$0x2] =	sbarrier.arrive $0xFFFF  }
0x1f4: {  	p0 =	sne.s32 s0, $0x0;
	s0 =	rddreg [dreg:$0x2]  }
0x1f5: {  	s0 =	sadd.s32 @!p0 $0x100000, s0  }
0x1f6: {  	[sflag:s0] =	ssyncadd.tile.s32 @!p0 $0x1;
	_ =	shalt  }
.Lfunc_end2:
_tile_overlayer_lowered:
.L_overlay_start_2:
0x1f7: {  	(tag) =	ssettag $0x2  }
0x1f8: {  	s0 =	rddreg [dreg:$0x0];
	s2 =	stileid.u32  }
0x1f9: {  	s1 =	rddreg [dreg:$0x1];
	p0 =	sne.s32 s2, $0x0  }
0x1fa: {  	s3 =	rddreg [dreg:$0x2];
	[bflag:$0x3] =	sbarrier.arrive $0xFFFF;
	s2 =	simm.s32 @!p0 $0x1C06  }
0x1fb: {  	[timem:s3], [sflag:s2] =	dma.local @!p0 [hbm:s0], s1  }
0x1fc: {  	s0 =	simm.s32 @!p0 $0x6  }
0x1fd: {  	_ =	swait.ge @!p0 [sflag:s0], s1  }
0x1fe: {  	s1 =	ssub.s32 @!p0 $0x0, s1;
	[sflag:s0] =	ssyncset.done @!p0 $0x0  }
0x1ff: {  	[sflag:s0] =	ssyncadd.s32 @!p0 s1  }
0x200: {  	[bflag:$0x3] =	sbarrier.arrive $0xFFFF  }
0x201: {  	_ =	shalt  }

</sc_bundles>
